<compile_context>
chip_gen: v7x
topology: tpu7x:2x2x1
jax: 0.10.2.dev20260603
libtpu: 0.0.44.dev20260713+nightly
codegen_flags: <defaults>
</compile_context>

<pallas_src>
import dataclasses
import functools
import jax
import jax.numpy as jnp
from jax import lax
from jax.experimental import pallas as pl
from jax.experimental.pallas import tpu as pltpu
from jax.experimental.pallas import tpu_sc as plsc

_NC = 2
_NS = 16
_L = 16


def kernel(x, row_embed, col_embed):
    B, C, H, W = x.shape
    NV, D = row_embed.shape
    HW = H * W
    C2 = 2 * D
    NW = _NC * _NS
    CPW = C2 // NW
    ROFF = 56

    mesh = plsc.VectorSubcoreMesh(core_axis_name="c", subcore_axis_name="s")
    cp = pltpu.CompilerParams()
    if "needs_layout_passes" in pltpu.CompilerParams.__dataclass_fields__:
        cp = dataclasses.replace(cp, needs_layout_passes=False)

    @functools.partial(
        pl.kernel,
        mesh=mesh,
        compiler_params=cp,
        out_type=jax.ShapeDtypeStruct((B * C2, HW), jnp.float32),
        scratch_types=[
            pltpu.VMEM((ROFF + NV, D), jnp.float32),
            pltpu.VMEM((CPW, HW), jnp.float32),
            pltpu.SemaphoreType.DMA,
            pltpu.SemaphoreType.DMA,
        ],
    )
    def sc_pos(col_hbm, row_hbm, out_hbm, tbl_v, rows_v, sem_in, sem_out):
        cid = lax.axis_index("c")
        sid = lax.axis_index("s")
        wid = cid * _NS + sid
        c0 = wid * CPW

        pltpu.async_copy(col_hbm, tbl_v.at[pl.ds(0, NV)], sem_in).wait()
        pltpu.async_copy(row_hbm, tbl_v.at[pl.ds(ROFF, NV)], sem_in).wait()

        lanes0 = lax.iota(jnp.int32, _L)
        zeros = jnp.zeros((_L,), jnp.int32)

        for j in range(CPW):
            c = c0 + j
            is_top = c < D

            @pl.loop(0, HW // _L)
            def _chunk(k):
                lanes = lanes0 + k * _L
                w = lanes & (W - 1)
                h = lanes >> 5
                r_idx = jnp.where(is_top, w, ROFF + h)
                c_idx = jnp.where(is_top, zeros + c, zeros + (c - D))
                v = plsc.load_gather(tbl_v, [r_idx, c_idx])
                rows_v[j, pl.ds(k * _L, _L)] = v

        copies = []
        for b in range(2):
            copies.append(pltpu.async_copy(
                rows_v, out_hbm.at[pl.ds(b * C2 + c0, CPW)], sem_out))
        for cp in copies:
            cp.wait()

    out = sc_pos(col_embed, row_embed)
    return out.reshape(B, C2, H, W)

# --- scband reference (transcript-rebuilt; emitter-appended) ---
"""Pipeline reference for scband-position-embedding-learned-18751827214825 (READ-ONLY COPY).

The authoritative reference and input builder live on the scoring server;
editing this copy changes nothing except your own understanding.
"""

import jax, jax.numpy as jnp
import numpy as np


def setup_inputs(seed: int = 0) -> dict:
    key = jax.random.key(seed)
    k1, k2, k3 = jax.random.split(key, 3)
    x = jax.random.normal(k1, (16, 768, 32, 32), dtype=jnp.float32)
    # learned parameters per init_kwargs: nn.Embedding(max_h=50, 128), nn.Embedding(max_w=50, 128)
    # initialized with nn.init.uniform_ -> U[0, 1)
    row_embed = jax.random.uniform(k2, (50, 128), dtype=jnp.float32)
    col_embed = jax.random.uniform(k3, (50, 128), dtype=jnp.float32)
    return {"x": x, "row_embed": row_embed, "col_embed": col_embed}


def reference(x, row_embed, col_embed):
    B, C, H, W = x.shape
    cols = jnp.arange(W)
    rows = jnp.arange(H)
    # embedding lookups (gather)
    x_emb = jnp.take(col_embed, cols, axis=0)  # [W, D]
    y_emb = jnp.take(row_embed, rows, axis=0)  # [H, D]
    pos = jnp.concatenate(
        [
            jnp.tile(x_emb[None, :, :], (H, 1, 1)),  # [H, W, D]
            jnp.tile(y_emb[:, None, :], (1, W, 1)),  # [H, W, D]
        ],
        axis=-1,
    )  # [H, W, 2D]
    pos = jnp.transpose(pos, (2, 0, 1))[None]  # [1, 2D, H, W]
    return jnp.tile(pos, (B, 1, 1, 1))  # [B, 2D, H, W]

if __name__ == "__main__":
    import jax
    _d = setup_inputs()
    print(jax.jit(kernel)(*tuple(_d.values())))

</pallas_src>

<mosaic_0001>
#map = affine_map<(d0, d1) -> (0, 0)>
module attributes {stable_mosaic.version = 14 : i64} {
  func.func @sc_pos(%arg0: i32, %arg1: i32, %arg2: memref<50x128xf32, #tpu.memory_space<hbm>>, %arg3: memref<50x128xf32, #tpu.memory_space<hbm>>, %arg4: memref<4096x1024xf32, #tpu.memory_space<hbm>>, %arg5: memref<106x128xf32, #tpu.memory_space<vmem>>, %arg6: memref<8x1024xf32, #tpu.memory_space<vmem>>, %arg7: memref<!tpu.dma_semaphore, #tpu.memory_space<semaphore_mem>>, %arg8: memref<!tpu.dma_semaphore, #tpu.memory_space<semaphore_mem>>) attributes {dimension_semantics = [#tpu.dimension_semantics<core_parallel>, #tpu.dimension_semantics<subcore_parallel>], iteration_bounds = array<i64: 2, 16>, scalar_prefetch = 0 : i64, scratch_operands = 4 : i64, tpu.core_type = #tpu.core_type<sc_vector_subcore>, window_params = [{transform_indices = #map}, {transform_indices = #map}, {transform_indices = #map}]} {
    %mul3A = arith.constant 16 : i32
    %mul3A_0 = arith.muli %arg0, %mul3A : i32
    %add3A = arith.addi %mul3A_0, %arg1 : i32
    %mul3A_1 = arith.constant 8 : i32
    %mul3A_2 = arith.muli %add3A, %mul3A_1 : i32
    %dma_start3A = arith.constant 0 : i32
    %dma_start3A_3 = arith.constant 0 : i32
    %dma_start3A_4 = tpu.memref_slice %arg5[%dma_start3A, %dma_start3A_3] : memref<106x128xf32, #tpu.memory_space<vmem>> -> memref<50x128xf32, #tpu.memory_space<vmem>>
    %dma_start3A_5 = arith.constant 0 : i32
    %dma_start3A_6 = arith.constant 0 : i32
    %dma_start3A_7 = tpu.memref_slice %arg5[%dma_start3A_5, %dma_start3A_6] : memref<106x128xf32, #tpu.memory_space<vmem>> -> memref<50x128xf32, #tpu.memory_space<vmem>>
    tpu.enqueue_dma source(%arg2 : memref<50x128xf32, #tpu.memory_space<hbm>>) target(%dma_start3A_7 : memref<50x128xf32, #tpu.memory_space<vmem>>) target_semaphore(%arg7 : memref<!tpu.dma_semaphore, #tpu.memory_space<semaphore_mem>>)
    %dma_wait3A = arith.constant 0 : i32
    %dma_wait3A_8 = arith.constant 0 : i32
    %dma_wait3A_9 = tpu.memref_slice %arg5[%dma_wait3A, %dma_wait3A_8] : memref<106x128xf32, #tpu.memory_space<vmem>> -> memref<50x128xf32, #tpu.memory_space<vmem>>
    %dma_wait3A_10 = arith.constant 0 : i32
    %dma_wait3A_11 = arith.constant 0 : i32
    %dma_wait3A_12 = tpu.memref_slice %arg5[%dma_wait3A_10, %dma_wait3A_11] : memref<106x128xf32, #tpu.memory_space<vmem>> -> memref<50x128xf32, #tpu.memory_space<vmem>>
    tpu.wait_dma2 semaphore(%arg7 : memref<!tpu.dma_semaphore, #tpu.memory_space<semaphore_mem>>) src(%arg2 : memref<50x128xf32, #tpu.memory_space<hbm>>) dst(%dma_wait3A_12 : memref<50x128xf32, #tpu.memory_space<vmem>>)
    %dma_start3A_13 = arith.constant 56 : i32
    %dma_start3A_14 = arith.constant 0 : i32
    %dma_start3A_15 = tpu.memref_slice %arg5[%dma_start3A_13, %dma_start3A_14] : memref<106x128xf32, #tpu.memory_space<vmem>> -> memref<50x128xf32, #tpu.memory_space<vmem>>
    %dma_start3A_16 = arith.constant 56 : i32
    %dma_start3A_17 = arith.constant 0 : i32
    %dma_start3A_18 = tpu.memref_slice %arg5[%dma_start3A_16, %dma_start3A_17] : memref<106x128xf32, #tpu.memory_space<vmem>> -> memref<50x128xf32, #tpu.memory_space<vmem>>
    tpu.enqueue_dma source(%arg3 : memref<50x128xf32, #tpu.memory_space<hbm>>) target(%dma_start3A_18 : memref<50x128xf32, #tpu.memory_space<vmem>>) target_semaphore(%arg7 : memref<!tpu.dma_semaphore, #tpu.memory_space<semaphore_mem>>)
    %dma_wait3A_19 = arith.constant 56 : i32
    %dma_wait3A_20 = arith.constant 0 : i32
    %dma_wait3A_21 = tpu.memref_slice %arg5[%dma_wait3A_19, %dma_wait3A_20] : memref<106x128xf32, #tpu.memory_space<vmem>> -> memref<50x128xf32, #tpu.memory_space<vmem>>
    %dma_wait3A_22 = arith.constant 56 : i32
    %dma_wait3A_23 = arith.constant 0 : i32
    %dma_wait3A_24 = tpu.memref_slice %arg5[%dma_wait3A_22, %dma_wait3A_23] : memref<106x128xf32, #tpu.memory_space<vmem>> -> memref<50x128xf32, #tpu.memory_space<vmem>>
    tpu.wait_dma2 semaphore(%arg7 : memref<!tpu.dma_semaphore, #tpu.memory_space<semaphore_mem>>) src(%arg3 : memref<50x128xf32, #tpu.memory_space<hbm>>) dst(%dma_wait3A_24 : memref<50x128xf32, #tpu.memory_space<vmem>>)
    %iota3A = tpu.iota {dimensions = array<i32: 0>} : vector<16xi32>
    %broadcast_in_dim3A = arith.constant 0 : i32
    %broadcast_in_dim3A_25 = vector.broadcast %broadcast_in_dim3A : i32 to vector<16xi32>
    %add3A_26 = arith.constant 0 : i32
    %add3A_27 = arith.addi %mul3A_2, %add3A_26 : i32
    %lt3A = arith.constant 128 : i32
    %lt3A_28 = arith.cmpi slt, %add3A_27, %lt3A : i32
    %scan3A = arith.constant 0 : i32
    %scan3A_29 = arith.constant 64 : i32
    %scan3A_30 = arith.addi %scan3A, %scan3A_29 : i32
    %scan3A_31 = arith.constant 1 : i32
    scf.for %scan3A_116 = %scan3A to %scan3A_30 step %scan3A_31  : i32 {
      %mul3A_117 = arith.constant 1 : i32
      %mul3A_118 = arith.muli %scan3A_116, %mul3A_117 : i32
      %add3A_119 = arith.constant 0 : i32
      %add3A_120 = arith.addi %add3A_119, %mul3A_118 : i32
      %mul3A_121 = arith.constant 16 : i32
      %mul3A_122 = arith.muli %add3A_120, %mul3A_121 : i32
      %add3A_123 = vector.broadcast %mul3A_122 : i32 to vector<16xi32>
      %add3A_124 = arith.addi %iota3A, %add3A_123 : vector<16xi32>
      %and3A = arith.constant 31 : i32
      %and3A_125 = vector.broadcast %and3A : i32 to vector<16xi32>
      %and3A_126 = arith.andi %add3A_124, %and3A_125 : vector<16xi32>
      %shift_right_arithmetic3A = arith.constant 5 : i32
      %shift_right_arithmetic3A_127 = vector.broadcast %shift_right_arithmetic3A : i32 to vector<16xi32>
      %shift_right_arithmetic3A_128 = arith.shrsi %add3A_124, %shift_right_arithmetic3A_127 : vector<16xi32>
      %add3A_129 = arith.constant 56 : i32
      %add3A_130 = vector.broadcast %add3A_129 : i32 to vector<16xi32>
      %add3A_131 = arith.addi %add3A_130, %shift_right_arithmetic3A_128 : vector<16xi32>
      %select_n3A = arith.select %lt3A_28, %and3A_126, %add3A_131 : vector<16xi32>
      %add3A_132 = vector.broadcast %add3A_27 : i32 to vector<16xi32>
      %add3A_133 = arith.addi %broadcast_in_dim3A_25, %add3A_132 : vector<16xi32>
      %sub3A = arith.constant 128 : i32
      %sub3A_134 = arith.subi %add3A_27, %sub3A : i32
      %add3A_135 = vector.broadcast %sub3A_134 : i32 to vector<16xi32>
      %add3A_136 = arith.addi %broadcast_in_dim3A_25, %add3A_135 : vector<16xi32>
      %select_n3A_137 = arith.select %lt3A_28, %add3A_133, %add3A_136 : vector<16xi32>
      %gather3A = tpu.vector_load_idx %arg5[%select_n3A, %select_n3A_137] : memref<106x128xf32, #tpu.memory_space<vmem>>[vector<16xi32>, vector<16xi32>], vector<16xf32>,
      %mul3A_138 = arith.constant 16 : i32
      %mul3A_139 = arith.muli %add3A_120, %mul3A_138 : i32
      %swap3A = arith.constant 0 : i32
      %swap3A_140 = arith.index_cast %swap3A : i32 to index
      %swap3A_141 = arith.index_cast %mul3A_139 : i32 to index
      %swap3A_142 = tpu.vector_load %arg6[%swap3A_140, %swap3A_141] {strides = array<i32>} : memref<8x1024xf32, #tpu.memory_space<vmem>>, vector<16xf32>,
      tpu.vector_store %arg6[%swap3A_140, %swap3A_141], %gather3A {strides = array<i32>} : memref<8x1024xf32, #tpu.memory_space<vmem>>, vector<16xf32>,
    }
    %scan3A_32 = arith.constant 64 : i32
    %add3A_33 = arith.constant 1 : i32
    %add3A_34 = arith.addi %mul3A_2, %add3A_33 : i32
    %lt3A_35 = arith.constant 128 : i32
    %lt3A_36 = arith.cmpi slt, %add3A_34, %lt3A_35 : i32
    %scan3A_37 = arith.constant 0 : i32
    %scan3A_38 = arith.constant 64 : i32
    %scan3A_39 = arith.addi %scan3A_37, %scan3A_38 : i32
    %scan3A_40 = arith.constant 1 : i32
    scf.for %scan3A_116 = %scan3A_37 to %scan3A_39 step %scan3A_40  : i32 {
      %mul3A_117 = arith.constant 1 : i32
      %mul3A_118 = arith.muli %scan3A_116, %mul3A_117 : i32
      %add3A_119 = arith.constant 0 : i32
      %add3A_120 = arith.addi %add3A_119, %mul3A_118 : i32
      %mul3A_121 = arith.constant 16 : i32
      %mul3A_122 = arith.muli %add3A_120, %mul3A_121 : i32
      %add3A_123 = vector.broadcast %mul3A_122 : i32 to vector<16xi32>
      %add3A_124 = arith.addi %iota3A, %add3A_123 : vector<16xi32>
      %and3A = arith.constant 31 : i32
      %and3A_125 = vector.broadcast %and3A : i32 to vector<16xi32>
      %and3A_126 = arith.andi %add3A_124, %and3A_125 : vector<16xi32>
      %shift_right_arithmetic3A = arith.constant 5 : i32
      %shift_right_arithmetic3A_127 = vector.broadcast %shift_right_arithmetic3A : i32 to vector<16xi32>
      %shift_right_arithmetic3A_128 = arith.shrsi %add3A_124, %shift_right_arithmetic3A_127 : vector<16xi32>
      %add3A_129 = arith.constant 56 : i32
      %add3A_130 = vector.broadcast %add3A_129 : i32 to vector<16xi32>
      %add3A_131 = arith.addi %add3A_130, %shift_right_arithmetic3A_128 : vector<16xi32>
      %select_n3A = arith.select %lt3A_36, %and3A_126, %add3A_131 : vector<16xi32>
      %add3A_132 = vector.broadcast %add3A_34 : i32 to vector<16xi32>
      %add3A_133 = arith.addi %broadcast_in_dim3A_25, %add3A_132 : vector<16xi32>
      %sub3A = arith.constant 128 : i32
      %sub3A_134 = arith.subi %add3A_34, %sub3A : i32
      %add3A_135 = vector.broadcast %sub3A_134 : i32 to vector<16xi32>
      %add3A_136 = arith.addi %broadcast_in_dim3A_25, %add3A_135 : vector<16xi32>
      %select_n3A_137 = arith.select %lt3A_36, %add3A_133, %add3A_136 : vector<16xi32>
      %gather3A = tpu.vector_load_idx %arg5[%select_n3A, %select_n3A_137] : memref<106x128xf32, #tpu.memory_space<vmem>>[vector<16xi32>, vector<16xi32>], vector<16xf32>,
      %mul3A_138 = arith.constant 16 : i32
      %mul3A_139 = arith.muli %add3A_120, %mul3A_138 : i32
      %swap3A = arith.constant 1 : i32
      %swap3A_140 = arith.index_cast %swap3A : i32 to index
      %swap3A_141 = arith.index_cast %mul3A_139 : i32 to index
      %swap3A_142 = tpu.vector_load %arg6[%swap3A_140, %swap3A_141] {strides = array<i32>} : memref<8x1024xf32, #tpu.memory_space<vmem>>, vector<16xf32>,
      tpu.vector_store %arg6[%swap3A_140, %swap3A_141], %gather3A {strides = array<i32>} : memref<8x1024xf32, #tpu.memory_space<vmem>>, vector<16xf32>,
    }
    %scan3A_41 = arith.constant 64 : i32
    %add3A_42 = arith.constant 2 : i32
    %add3A_43 = arith.addi %mul3A_2, %add3A_42 : i32
    %lt3A_44 = arith.constant 128 : i32
    %lt3A_45 = arith.cmpi slt, %add3A_43, %lt3A_44 : i32
    %scan3A_46 = arith.constant 0 : i32
    %scan3A_47 = arith.constant 64 : i32
    %scan3A_48 = arith.addi %scan3A_46, %scan3A_47 : i32
    %scan3A_49 = arith.constant 1 : i32
    scf.for %scan3A_116 = %scan3A_46 to %scan3A_48 step %scan3A_49  : i32 {
      %mul3A_117 = arith.constant 1 : i32
      %mul3A_118 = arith.muli %scan3A_116, %mul3A_117 : i32
      %add3A_119 = arith.constant 0 : i32
      %add3A_120 = arith.addi %add3A_119, %mul3A_118 : i32
      %mul3A_121 = arith.constant 16 : i32
      %mul3A_122 = arith.muli %add3A_120, %mul3A_121 : i32
      %add3A_123 = vector.broadcast %mul3A_122 : i32 to vector<16xi32>
      %add3A_124 = arith.addi %iota3A, %add3A_123 : vector<16xi32>
      %and3A = arith.constant 31 : i32
      %and3A_125 = vector.broadcast %and3A : i32 to vector<16xi32>
      %and3A_126 = arith.andi %add3A_124, %and3A_125 : vector<16xi32>
      %shift_right_arithmetic3A = arith.constant 5 : i32
      %shift_right_arithmetic3A_127 = vector.broadcast %shift_right_arithmetic3A : i32 to vector<16xi32>
      %shift_right_arithmetic3A_128 = arith.shrsi %add3A_124, %shift_right_arithmetic3A_127 : vector<16xi32>
      %add3A_129 = arith.constant 56 : i32
      %add3A_130 = vector.broadcast %add3A_129 : i32 to vector<16xi32>
      %add3A_131 = arith.addi %add3A_130, %shift_right_arithmetic3A_128 : vector<16xi32>
      %select_n3A = arith.select %lt3A_45, %and3A_126, %add3A_131 : vector<16xi32>
      %add3A_132 = vector.broadcast %add3A_43 : i32 to vector<16xi32>
      %add3A_133 = arith.addi %broadcast_in_dim3A_25, %add3A_132 : vector<16xi32>
      %sub3A = arith.constant 128 : i32
      %sub3A_134 = arith.subi %add3A_43, %sub3A : i32
      %add3A_135 = vector.broadcast %sub3A_134 : i32 to vector<16xi32>
      %add3A_136 = arith.addi %broadcast_in_dim3A_25, %add3A_135 : vector<16xi32>
      %select_n3A_137 = arith.select %lt3A_45, %add3A_133, %add3A_136 : vector<16xi32>
      %gather3A = tpu.vector_load_idx %arg5[%select_n3A, %select_n3A_137] : memref<106x128xf32, #tpu.memory_space<vmem>>[vector<16xi32>, vector<16xi32>], vector<16xf32>,
      %mul3A_138 = arith.constant 16 : i32
      %mul3A_139 = arith.muli %add3A_120, %mul3A_138 : i32
      %swap3A = arith.constant 2 : i32
      %swap3A_140 = arith.index_cast %swap3A : i32 to index
      %swap3A_141 = arith.index_cast %mul3A_139 : i32 to index
      %swap3A_142 = tpu.vector_load %arg6[%swap3A_140, %swap3A_141] {strides = array<i32>} : memref<8x1024xf32, #tpu.memory_space<vmem>>, vector<16xf32>,
      tpu.vector_store %arg6[%swap3A_140, %swap3A_141], %gather3A {strides = array<i32>} : memref<8x1024xf32, #tpu.memory_space<vmem>>, vector<16xf32>,
    }
    %scan3A_50 = arith.constant 64 : i32
    %add3A_51 = arith.constant 3 : i32
    %add3A_52 = arith.addi %mul3A_2, %add3A_51 : i32
    %lt3A_53 = arith.constant 128 : i32
    %lt3A_54 = arith.cmpi slt, %add3A_52, %lt3A_53 : i32
    %scan3A_55 = arith.constant 0 : i32
    %scan3A_56 = arith.constant 64 : i32
    %scan3A_57 = arith.addi %scan3A_55, %scan3A_56 : i32
    %scan3A_58 = arith.constant 1 : i32
    scf.for %scan3A_116 = %scan3A_55 to %scan3A_57 step %scan3A_58  : i32 {
      %mul3A_117 = arith.constant 1 : i32
      %mul3A_118 = arith.muli %scan3A_116, %mul3A_117 : i32
      %add3A_119 = arith.constant 0 : i32
      %add3A_120 = arith.addi %add3A_119, %mul3A_118 : i32
      %mul3A_121 = arith.constant 16 : i32
      %mul3A_122 = arith.muli %add3A_120, %mul3A_121 : i32
      %add3A_123 = vector.broadcast %mul3A_122 : i32 to vector<16xi32>
      %add3A_124 = arith.addi %iota3A, %add3A_123 : vector<16xi32>
      %and3A = arith.constant 31 : i32
      %and3A_125 = vector.broadcast %and3A : i32 to vector<16xi32>
      %and3A_126 = arith.andi %add3A_124, %and3A_125 : vector<16xi32>
      %shift_right_arithmetic3A = arith.constant 5 : i32
      %shift_right_arithmetic3A_127 = vector.broadcast %shift_right_arithmetic3A : i32 to vector<16xi32>
      %shift_right_arithmetic3A_128 = arith.shrsi %add3A_124, %shift_right_arithmetic3A_127 : vector<16xi32>
      %add3A_129 = arith.constant 56 : i32
      %add3A_130 = vector.broadcast %add3A_129 : i32 to vector<16xi32>
      %add3A_131 = arith.addi %add3A_130, %shift_right_arithmetic3A_128 : vector<16xi32>
      %select_n3A = arith.select %lt3A_54, %and3A_126, %add3A_131 : vector<16xi32>
      %add3A_132 = vector.broadcast %add3A_52 : i32 to vector<16xi32>
      %add3A_133 = arith.addi %broadcast_in_dim3A_25, %add3A_132 : vector<16xi32>
      %sub3A = arith.constant 128 : i32
      %sub3A_134 = arith.subi %add3A_52, %sub3A : i32
      %add3A_135 = vector.broadcast %sub3A_134 : i32 to vector<16xi32>
      %add3A_136 = arith.addi %broadcast_in_dim3A_25, %add3A_135 : vector<16xi32>
      %select_n3A_137 = arith.select %lt3A_54, %add3A_133, %add3A_136 : vector<16xi32>
      %gather3A = tpu.vector_load_idx %arg5[%select_n3A, %select_n3A_137] : memref<106x128xf32, #tpu.memory_space<vmem>>[vector<16xi32>, vector<16xi32>], vector<16xf32>,
      %mul3A_138 = arith.constant 16 : i32
      %mul3A_139 = arith.muli %add3A_120, %mul3A_138 : i32
      %swap3A = arith.constant 3 : i32
      %swap3A_140 = arith.index_cast %swap3A : i32 to index
      %swap3A_141 = arith.index_cast %mul3A_139 : i32 to index
      %swap3A_142 = tpu.vector_load %arg6[%swap3A_140, %swap3A_141] {strides = array<i32>} : memref<8x1024xf32, #tpu.memory_space<vmem>>, vector<16xf32>,
      tpu.vector_store %arg6[%swap3A_140, %swap3A_141], %gather3A {strides = array<i32>} : memref<8x1024xf32, #tpu.memory_space<vmem>>, vector<16xf32>,
    }
    %scan3A_59 = arith.constant 64 : i32
    %add3A_60 = arith.constant 4 : i32
    %add3A_61 = arith.addi %mul3A_2, %add3A_60 : i32
    %lt3A_62 = arith.constant 128 : i32
    %lt3A_63 = arith.cmpi slt, %add3A_61, %lt3A_62 : i32
    %scan3A_64 = arith.constant 0 : i32
    %scan3A_65 = arith.constant 64 : i32
    %scan3A_66 = arith.addi %scan3A_64, %scan3A_65 : i32
    %scan3A_67 = arith.constant 1 : i32
    scf.for %scan3A_116 = %scan3A_64 to %scan3A_66 step %scan3A_67  : i32 {
      %mul3A_117 = arith.constant 1 : i32
      %mul3A_118 = arith.muli %scan3A_116, %mul3A_117 : i32
      %add3A_119 = arith.constant 0 : i32
      %add3A_120 = arith.addi %add3A_119, %mul3A_118 : i32
      %mul3A_121 = arith.constant 16 : i32
      %mul3A_122 = arith.muli %add3A_120, %mul3A_121 : i32
      %add3A_123 = vector.broadcast %mul3A_122 : i32 to vector<16xi32>
      %add3A_124 = arith.addi %iota3A, %add3A_123 : vector<16xi32>
      %and3A = arith.constant 31 : i32
      %and3A_125 = vector.broadcast %and3A : i32 to vector<16xi32>
      %and3A_126 = arith.andi %add3A_124, %and3A_125 : vector<16xi32>
      %shift_right_arithmetic3A = arith.constant 5 : i32
      %shift_right_arithmetic3A_127 = vector.broadcast %shift_right_arithmetic3A : i32 to vector<16xi32>
      %shift_right_arithmetic3A_128 = arith.shrsi %add3A_124, %shift_right_arithmetic3A_127 : vector<16xi32>
      %add3A_129 = arith.constant 56 : i32
      %add3A_130 = vector.broadcast %add3A_129 : i32 to vector<16xi32>
      %add3A_131 = arith.addi %add3A_130, %shift_right_arithmetic3A_128 : vector<16xi32>
      %select_n3A = arith.select %lt3A_63, %and3A_126, %add3A_131 : vector<16xi32>
      %add3A_132 = vector.broadcast %add3A_61 : i32 to vector<16xi32>
      %add3A_133 = arith.addi %broadcast_in_dim3A_25, %add3A_132 : vector<16xi32>
      %sub3A = arith.constant 128 : i32
      %sub3A_134 = arith.subi %add3A_61, %sub3A : i32
      %add3A_135 = vector.broadcast %sub3A_134 : i32 to vector<16xi32>
      %add3A_136 = arith.addi %broadcast_in_dim3A_25, %add3A_135 : vector<16xi32>
      %select_n3A_137 = arith.select %lt3A_63, %add3A_133, %add3A_136 : vector<16xi32>
      %gather3A = tpu.vector_load_idx %arg5[%select_n3A, %select_n3A_137] : memref<106x128xf32, #tpu.memory_space<vmem>>[vector<16xi32>, vector<16xi32>], vector<16xf32>,
      %mul3A_138 = arith.constant 16 : i32
      %mul3A_139 = arith.muli %add3A_120, %mul3A_138 : i32
      %swap3A = arith.constant 4 : i32
      %swap3A_140 = arith.index_cast %swap3A : i32 to index
      %swap3A_141 = arith.index_cast %mul3A_139 : i32 to index
      %swap3A_142 = tpu.vector_load %arg6[%swap3A_140, %swap3A_141] {strides = array<i32>} : memref<8x1024xf32, #tpu.memory_space<vmem>>, vector<16xf32>,
      tpu.vector_store %arg6[%swap3A_140, %swap3A_141], %gather3A {strides = array<i32>} : memref<8x1024xf32, #tpu.memory_space<vmem>>, vector<16xf32>,
    }
    %scan3A_68 = arith.constant 64 : i32
    %add3A_69 = arith.constant 5 : i32
    %add3A_70 = arith.addi %mul3A_2, %add3A_69 : i32
    %lt3A_71 = arith.constant 128 : i32
    %lt3A_72 = arith.cmpi slt, %add3A_70, %lt3A_71 : i32
    %scan3A_73 = arith.constant 0 : i32
    %scan3A_74 = arith.constant 64 : i32
    %scan3A_75 = arith.addi %scan3A_73, %scan3A_74 : i32
    %scan3A_76 = arith.constant 1 : i32
    scf.for %scan3A_116 = %scan3A_73 to %scan3A_75 step %scan3A_76  : i32 {
      %mul3A_117 = arith.constant 1 : i32
      %mul3A_118 = arith.muli %scan3A_116, %mul3A_117 : i32
      %add3A_119 = arith.constant 0 : i32
      %add3A_120 = arith.addi %add3A_119, %mul3A_118 : i32
      %mul3A_121 = arith.constant 16 : i32
      %mul3A_122 = arith.muli %add3A_120, %mul3A_121 : i32
      %add3A_123 = vector.broadcast %mul3A_122 : i32 to vector<16xi32>
      %add3A_124 = arith.addi %iota3A, %add3A_123 : vector<16xi32>
      %and3A = arith.constant 31 : i32
      %and3A_125 = vector.broadcast %and3A : i32 to vector<16xi32>
      %and3A_126 = arith.andi %add3A_124, %and3A_125 : vector<16xi32>
      %shift_right_arithmetic3A = arith.constant 5 : i32
      %shift_right_arithmetic3A_127 = vector.broadcast %shift_right_arithmetic3A : i32 to vector<16xi32>
      %shift_right_arithmetic3A_128 = arith.shrsi %add3A_124, %shift_right_arithmetic3A_127 : vector<16xi32>
      %add3A_129 = arith.constant 56 : i32
      %add3A_130 = vector.broadcast %add3A_129 : i32 to vector<16xi32>
      %add3A_131 = arith.addi %add3A_130, %shift_right_arithmetic3A_128 : vector<16xi32>
      %select_n3A = arith.select %lt3A_72, %and3A_126, %add3A_131 : vector<16xi32>
      %add3A_132 = vector.broadcast %add3A_70 : i32 to vector<16xi32>
      %add3A_133 = arith.addi %broadcast_in_dim3A_25, %add3A_132 : vector<16xi32>
      %sub3A = arith.constant 128 : i32
      %sub3A_134 = arith.subi %add3A_70, %sub3A : i32
      %add3A_135 = vector.broadcast %sub3A_134 : i32 to vector<16xi32>
      %add3A_136 = arith.addi %broadcast_in_dim3A_25, %add3A_135 : vector<16xi32>
      %select_n3A_137 = arith.select %lt3A_72, %add3A_133, %add3A_136 : vector<16xi32>
      %gather3A = tpu.vector_load_idx %arg5[%select_n3A, %select_n3A_137] : memref<106x128xf32, #tpu.memory_space<vmem>>[vector<16xi32>, vector<16xi32>], vector<16xf32>,
      %mul3A_138 = arith.constant 16 : i32
      %mul3A_139 = arith.muli %add3A_120, %mul3A_138 : i32
      %swap3A = arith.constant 5 : i32
      %swap3A_140 = arith.index_cast %swap3A : i32 to index
      %swap3A_141 = arith.index_cast %mul3A_139 : i32 to index
      %swap3A_142 = tpu.vector_load %arg6[%swap3A_140, %swap3A_141] {strides = array<i32>} : memref<8x1024xf32, #tpu.memory_space<vmem>>, vector<16xf32>,
      tpu.vector_store %arg6[%swap3A_140, %swap3A_141], %gather3A {strides = array<i32>} : memref<8x1024xf32, #tpu.memory_space<vmem>>, vector<16xf32>,
    }
    %scan3A_77 = arith.constant 64 : i32
    %add3A_78 = arith.constant 6 : i32
    %add3A_79 = arith.addi %mul3A_2, %add3A_78 : i32
    %lt3A_80 = arith.constant 128 : i32
    %lt3A_81 = arith.cmpi slt, %add3A_79, %lt3A_80 : i32
    %scan3A_82 = arith.constant 0 : i32
    %scan3A_83 = arith.constant 64 : i32
    %scan3A_84 = arith.addi %scan3A_82, %scan3A_83 : i32
    %scan3A_85 = arith.constant 1 : i32
    scf.for %scan3A_116 = %scan3A_82 to %scan3A_84 step %scan3A_85  : i32 {
      %mul3A_117 = arith.constant 1 : i32
      %mul3A_118 = arith.muli %scan3A_116, %mul3A_117 : i32
      %add3A_119 = arith.constant 0 : i32
      %add3A_120 = arith.addi %add3A_119, %mul3A_118 : i32
      %mul3A_121 = arith.constant 16 : i32
      %mul3A_122 = arith.muli %add3A_120, %mul3A_121 : i32
      %add3A_123 = vector.broadcast %mul3A_122 : i32 to vector<16xi32>
      %add3A_124 = arith.addi %iota3A, %add3A_123 : vector<16xi32>
      %and3A = arith.constant 31 : i32
      %and3A_125 = vector.broadcast %and3A : i32 to vector<16xi32>
      %and3A_126 = arith.andi %add3A_124, %and3A_125 : vector<16xi32>
      %shift_right_arithmetic3A = arith.constant 5 : i32
      %shift_right_arithmetic3A_127 = vector.broadcast %shift_right_arithmetic3A : i32 to vector<16xi32>
      %shift_right_arithmetic3A_128 = arith.shrsi %add3A_124, %shift_right_arithmetic3A_127 : vector<16xi32>
      %add3A_129 = arith.constant 56 : i32
      %add3A_130 = vector.broadcast %add3A_129 : i32 to vector<16xi32>
      %add3A_131 = arith.addi %add3A_130, %shift_right_arithmetic3A_128 : vector<16xi32>
      %select_n3A = arith.select %lt3A_81, %and3A_126, %add3A_131 : vector<16xi32>
      %add3A_132 = vector.broadcast %add3A_79 : i32 to vector<16xi32>
      %add3A_133 = arith.addi %broadcast_in_dim3A_25, %add3A_132 : vector<16xi32>
      %sub3A = arith.constant 128 : i32
      %sub3A_134 = arith.subi %add3A_79, %sub3A : i32
      %add3A_135 = vector.broadcast %sub3A_134 : i32 to vector<16xi32>
      %add3A_136 = arith.addi %broadcast_in_dim3A_25, %add3A_135 : vector<16xi32>
      %select_n3A_137 = arith.select %lt3A_81, %add3A_133, %add3A_136 : vector<16xi32>
      %gather3A = tpu.vector_load_idx %arg5[%select_n3A, %select_n3A_137] : memref<106x128xf32, #tpu.memory_space<vmem>>[vector<16xi32>, vector<16xi32>], vector<16xf32>,
      %mul3A_138 = arith.constant 16 : i32
      %mul3A_139 = arith.muli %add3A_120, %mul3A_138 : i32
      %swap3A = arith.constant 6 : i32
      %swap3A_140 = arith.index_cast %swap3A : i32 to index
      %swap3A_141 = arith.index_cast %mul3A_139 : i32 to index
      %swap3A_142 = tpu.vector_load %arg6[%swap3A_140, %swap3A_141] {strides = array<i32>} : memref<8x1024xf32, #tpu.memory_space<vmem>>, vector<16xf32>,
      tpu.vector_store %arg6[%swap3A_140, %swap3A_141], %gather3A {strides = array<i32>} : memref<8x1024xf32, #tpu.memory_space<vmem>>, vector<16xf32>,
    }
    %scan3A_86 = arith.constant 64 : i32
    %add3A_87 = arith.constant 7 : i32
    %add3A_88 = arith.addi %mul3A_2, %add3A_87 : i32
    %lt3A_89 = arith.constant 128 : i32
    %lt3A_90 = arith.cmpi slt, %add3A_88, %lt3A_89 : i32
    %scan3A_91 = arith.constant 0 : i32
    %scan3A_92 = arith.constant 64 : i32
    %scan3A_93 = arith.addi %scan3A_91, %scan3A_92 : i32
    %scan3A_94 = arith.constant 1 : i32
    scf.for %scan3A_116 = %scan3A_91 to %scan3A_93 step %scan3A_94  : i32 {
      %mul3A_117 = arith.constant 1 : i32
      %mul3A_118 = arith.muli %scan3A_116, %mul3A_117 : i32
      %add3A_119 = arith.constant 0 : i32
      %add3A_120 = arith.addi %add3A_119, %mul3A_118 : i32
      %mul3A_121 = arith.constant 16 : i32
      %mul3A_122 = arith.muli %add3A_120, %mul3A_121 : i32
      %add3A_123 = vector.broadcast %mul3A_122 : i32 to vector<16xi32>
      %add3A_124 = arith.addi %iota3A, %add3A_123 : vector<16xi32>
      %and3A = arith.constant 31 : i32
      %and3A_125 = vector.broadcast %and3A : i32 to vector<16xi32>
      %and3A_126 = arith.andi %add3A_124, %and3A_125 : vector<16xi32>
      %shift_right_arithmetic3A = arith.constant 5 : i32
      %shift_right_arithmetic3A_127 = vector.broadcast %shift_right_arithmetic3A : i32 to vector<16xi32>
      %shift_right_arithmetic3A_128 = arith.shrsi %add3A_124, %shift_right_arithmetic3A_127 : vector<16xi32>
      %add3A_129 = arith.constant 56 : i32
      %add3A_130 = vector.broadcast %add3A_129 : i32 to vector<16xi32>
      %add3A_131 = arith.addi %add3A_130, %shift_right_arithmetic3A_128 : vector<16xi32>
      %select_n3A = arith.select %lt3A_90, %and3A_126, %add3A_131 : vector<16xi32>
      %add3A_132 = vector.broadcast %add3A_88 : i32 to vector<16xi32>
      %add3A_133 = arith.addi %broadcast_in_dim3A_25, %add3A_132 : vector<16xi32>
      %sub3A = arith.constant 128 : i32
      %sub3A_134 = arith.subi %add3A_88, %sub3A : i32
      %add3A_135 = vector.broadcast %sub3A_134 : i32 to vector<16xi32>
      %add3A_136 = arith.addi %broadcast_in_dim3A_25, %add3A_135 : vector<16xi32>
      %select_n3A_137 = arith.select %lt3A_90, %add3A_133, %add3A_136 : vector<16xi32>
      %gather3A = tpu.vector_load_idx %arg5[%select_n3A, %select_n3A_137] : memref<106x128xf32, #tpu.memory_space<vmem>>[vector<16xi32>, vector<16xi32>], vector<16xf32>,
      %mul3A_138 = arith.constant 16 : i32
      %mul3A_139 = arith.muli %add3A_120, %mul3A_138 : i32
      %swap3A = arith.constant 7 : i32
      %swap3A_140 = arith.index_cast %swap3A : i32 to index
      %swap3A_141 = arith.index_cast %mul3A_139 : i32 to index
      %swap3A_142 = tpu.vector_load %arg6[%swap3A_140, %swap3A_141] {strides = array<i32>} : memref<8x1024xf32, #tpu.memory_space<vmem>>, vector<16xf32>,
      tpu.vector_store %arg6[%swap3A_140, %swap3A_141], %gather3A {strides = array<i32>} : memref<8x1024xf32, #tpu.memory_space<vmem>>, vector<16xf32>,
    }
    %scan3A_95 = arith.constant 64 : i32
    %add3A_96 = arith.constant 0 : i32
    %add3A_97 = arith.addi %add3A_96, %mul3A_2 : i32
    %dma_start3A_98 = arith.constant 0 : i32
    %dma_start3A_99 = tpu.memref_slice %arg4[%add3A_97, %dma_start3A_98] : memref<4096x1024xf32, #tpu.memory_space<hbm>> -> memref<8x1024xf32, #tpu.memory_space<hbm>>
    %dma_start3A_100 = arith.constant 0 : i32
    %dma_start3A_101 = tpu.memref_slice %arg4[%add3A_97, %dma_start3A_100] : memref<4096x1024xf32, #tpu.memory_space<hbm>> -> memref<8x1024xf32, #tpu.memory_space<hbm>>
    tpu.enqueue_dma source(%arg6 : memref<8x1024xf32, #tpu.memory_space<vmem>>) target(%dma_start3A_101 : memref<8x1024xf32, #tpu.memory_space<hbm>>) target_semaphore(%arg8 : memref<!tpu.dma_semaphore, #tpu.memory_space<semaphore_mem>>)
    %add3A_102 = arith.constant 256 : i32
    %add3A_103 = arith.addi %add3A_102, %mul3A_2 : i32
    %dma_start3A_104 = arith.constant 0 : i32
    %dma_start3A_105 = tpu.memref_slice %arg4[%add3A_103, %dma_start3A_104] : memref<4096x1024xf32, #tpu.memory_space<hbm>> -> memref<8x1024xf32, #tpu.memory_space<hbm>>
    %dma_start3A_106 = arith.constant 0 : i32
    %dma_start3A_107 = tpu.memref_slice %arg4[%add3A_103, %dma_start3A_106] : memref<4096x1024xf32, #tpu.memory_space<hbm>> -> memref<8x1024xf32, #tpu.memory_space<hbm>>
    tpu.enqueue_dma source(%arg6 : memref<8x1024xf32, #tpu.memory_space<vmem>>) target(%dma_start3A_107 : memref<8x1024xf32, #tpu.memory_space<hbm>>) target_semaphore(%arg8 : memref<!tpu.dma_semaphore, #tpu.memory_space<semaphore_mem>>)
    %dma_wait3A_108 = arith.constant 0 : i32
    %dma_wait3A_109 = tpu.memref_slice %arg4[%add3A_97, %dma_wait3A_108] : memref<4096x1024xf32, #tpu.memory_space<hbm>> -> memref<8x1024xf32, #tpu.memory_space<hbm>>
    %dma_wait3A_110 = arith.constant 0 : i32
    %dma_wait3A_111 = tpu.memref_slice %arg4[%add3A_97, %dma_wait3A_110] : memref<4096x1024xf32, #tpu.memory_space<hbm>> -> memref<8x1024xf32, #tpu.memory_space<hbm>>
    tpu.wait_dma2 semaphore(%arg8 : memref<!tpu.dma_semaphore, #tpu.memory_space<semaphore_mem>>) src(%arg6 : memref<8x1024xf32, #tpu.memory_space<vmem>>) dst(%dma_wait3A_111 : memref<8x1024xf32, #tpu.memory_space<hbm>>)
    %dma_wait3A_112 = arith.constant 0 : i32
    %dma_wait3A_113 = tpu.memref_slice %arg4[%add3A_103, %dma_wait3A_112] : memref<4096x1024xf32, #tpu.memory_space<hbm>> -> memref<8x1024xf32, #tpu.memory_space<hbm>>
    %dma_wait3A_114 = arith.constant 0 : i32
    %dma_wait3A_115 = tpu.memref_slice %arg4[%add3A_103, %dma_wait3A_114] : memref<4096x1024xf32, #tpu.memory_space<hbm>> -> memref<8x1024xf32, #tpu.memory_space<hbm>>
    tpu.wait_dma2 semaphore(%arg8 : memref<!tpu.dma_semaphore, #tpu.memory_space<semaphore_mem>>) src(%arg6 : memref<8x1024xf32, #tpu.memory_space<vmem>>) dst(%dma_wait3A_115 : memref<8x1024xf32, #tpu.memory_space<hbm>>)
    return
  }
}

</mosaic_0001>

<sc_bundles>
// kernel: kernel.3.cloned.1.call-start
scs
__scs_entry_jumppad:
0x0: {  	(pc) =	sbr.rel $0x88, $3  }
0x1: {  	(tag) =	ssettag $0x0;
	lr =	simm.s32 $0x1  }
0x2: {  	[smem:$0x3F9F] =	sst lr;
	_ =	strace $0xD0000000  }
0x3: {  	_ = 	snop  }
0x4: {  	_ = 	snop  }
0x5: {  	_ = 	snop  }
0x6: {  	_ = 	snop  }
0x7: {  	_ = 	snop  }
__scs_overlays_trampoline_lowered:
0x8: {  	[smem:$0x3FAE] =	sst s0  }
0x9: {  	[smem:$0x3FAF] =	sst s1  }
0xa: {  	[smem:$0x3FB0] =	sst s2  }
0xb: {  	[smem:$0x3FB1] =	sst s3  }
0xc: {  	[smem:$0x3FB2] =	sst s4  }
0xd: {  	[smem:$0x3FB3] =	sst s5  }
0xe: {  	[smem:$0x3FB4] =	sst s6  }
0xf: {  	[smem:$0x3FB5] =	sst s7  }
0x10: {  	[smem:$0x3FB6] =	sst s8  }
0x11: {  	[smem:$0x3FB7] =	sst s9;
	s0 =	simm.s32 @!p0 $0x0  }
0x12: {  	s1 =	sld [smem:$0x3F9D];
	s0 =	simm.s32 @p0 $0x1  }
0x13: {  	[smem:$0x3FB8] =	sst s0;
	s0 =	simm.s32 @!p1 $0x0  }
0x14: {  	s2 =	sld [smem:$0x3F9C];
	s0 =	simm.s32 @p1 $0x1  }
0x15: {  	[smem:$0x3FB9] =	sst s0;
	s0 =	simm.s32 @!p2 $0x0  }
0x16: {  	s3 =	sld [smem:$0x3FDB];
	s0 =	simm.s32 @p2 $0x1  }
0x17: {  	s4 =	simm.s32 $0x1BF5;
	[smem:$0x3FBB] =	sst s0  }
0x18: {  	s0 =	sld [smem:$0x3F9E];
	_ =	swait.ge [sflag:s4], $0x0  }
0x19: {  	s7 =	sld [smem:$0x3F9F]  }
0x1a: {  	s8 =	sadd.s32 $0xFFFFE003, lr  }
0x1b: {  	s9 =	sadd.s32 $0xFFFFFEF7, lr;
	s5 =	simm.s32 $0xFFFFFFFF;
	p2 =	slt.u32 s8, $0xFFFFF086  }
0x1c: {  	p1 =	slt.u32 s9, $0xF7A;
	s5 =	simm.s32 @!p2 $0x0  }
0x1d: {  	s5 =	simm.s32 @p1 $0x1;
	p0 =	seq.s32 s7, s2  }
0x1e: {  	s7 =	smul.u32 @!p0 $0xF7A, s2;
	p2 =	seq.s32 @!p0 s5, $0x0  }
0x1f: {  	s9 =	smul.u32 $0xF7A, s1;
	s8 =	simm.s32 @!p0 $0x1BF5;
	p2 =	por !p2, p0  }
0x20: {  	[sflag:s8] =	ssyncset.s32 @!p0 $0xFFFFF086;
	s6 =	sadd.s32 @!p0 s3, s7;
	s7 =	simm.s32 @!p0 $0x108  }
0x21: {  	s3 =	sadd.s32 s3, s9;
	s6 =	sadd.s32 @!p0 $0x88, s6;
	s7 =	simm.s32 @p2 $0x1082  }
0x22: {  	[simem:s7], [sflag:s8] =	dma.local @!p0 [hbm:s6], $0xF7A  }
0x23: {  	s9 =	sor.u32 $0xD0000000, s2;
	s6 =	simm.s32 $0x108;
	_ =	swait.ge @!p0 [sflag:s8], $0x0  }
0x24: {  	s3 =	sadd.s32 $0x88, s3;
	s6 =	simm.s32 @!p1 $0x1082;
	[sflag:s4] =	ssyncset.s32 $0xFFFFF086  }
0x25: {  	[simem:s6], [sflag:s4] =	dma.local [hbm:s3], $0xF7A  }
0x26: {  	[smem:$0x3F9F] =	sst s1;
	(tag) =	ssettag s2;
	_ =	strace s9  }
0x27: {  	s1 =	sld [smem:$0x3FAF]  }
0x28: {  	s2 =	sld [smem:$0x3FB0]  }
0x29: {  	s4 =	sld [smem:$0x3FB2]  }
0x2a: {  	p0 =	seq.s32 s5, $0x0;
	s5 =	sld [smem:$0x3FB3]  }
0x2b: {  	s6 =	sld [smem:$0x3FB4]  }
0x2c: {  	s7 =	sld [smem:$0x3FB5]  }
0x2d: {  	s3 =	simm.s32 $0x108;
	s8 =	sld [smem:$0x3FB6]  }
0x2e: {  	s3 =	simm.s32 @!p0 $0x1082;
	s9 =	sld [smem:$0x3FB7]  }
0x2f: {  	lr =	sadd.s32 s0, s3;
	s0 =	sld [smem:$0x3FAE]  }
0x30: {  	s3 =	sld [smem:$0x3FB1]  }
0x31: {  	[smem:$0x3FBA] =	sst s10  }
0x32: {  	s10 =	sld [smem:$0x3FB8];
	_ =	sdelay $0x3  }
0x33: {  	p0 =	seq.s32 s10, $0x1;
	s10 =	sld [smem:$0x3FBA];
	_ =	sdelay $0x3  }
0x34: {  	[smem:$0x3FBA] =	sst s10  }
0x35: {  	s10 =	sld [smem:$0x3FB9];
	_ =	sdelay $0x3  }
0x36: {  	p1 =	seq.s32 s10, $0x1;
	s10 =	sld [smem:$0x3FBA];
	_ =	sdelay $0x3  }
0x37: {  	[smem:$0x3FBA] =	sst s10  }
0x38: {  	s10 =	sld [smem:$0x3FBB]  }
0x39: {  	_ = 	snop;
	(pc) =	sbr.ind lr, $3  }
0x3a: {  	_ = 	snop  }
0x3b: {  	_ = 	snop  }
0x3c: {  	p2 =	seq.s32 s10, $0x1;
	s10 =	sld [smem:$0x3FBA]  }
0x3d: {  	_ =	shalt  }
0x3e: {  	_ =	shalt  }
0x3f: {  	_ =	shalt  }
0x40: {  	_ =	shalt  }
0x41: {  	_ =	shalt  }
0x42: {  	_ =	shalt  }
0x43: {  	_ =	shalt  }
0x44: {  	_ =	shalt  }
0x45: {  	_ =	shalt  }
0x46: {  	_ =	shalt  }
0x47: {  	_ =	shalt  }
0x48: {  	_ =	shalt  }
0x49: {  	_ =	shalt  }
0x4a: {  	_ =	shalt  }
0x4b: {  	_ =	shalt  }
0x4c: {  	_ =	shalt  }
0x4d: {  	_ =	shalt  }
0x4e: {  	_ =	shalt  }
0x4f: {  	_ =	shalt  }
0x50: {  	_ =	shalt  }
0x51: {  	_ =	shalt  }
0x52: {  	_ =	shalt  }
0x53: {  	_ =	shalt  }
0x54: {  	_ =	shalt  }
0x55: {  	_ =	shalt  }
0x56: {  	_ =	shalt  }
0x57: {  	_ =	shalt  }
0x58: {  	_ =	shalt  }
0x59: {  	_ =	shalt  }
0x5a: {  	_ =	shalt  }
0x5b: {  	_ =	shalt  }
0x5c: {  	_ =	shalt  }
0x5d: {  	_ =	shalt  }
0x5e: {  	_ =	shalt  }
0x5f: {  	_ =	shalt  }
0x60: {  	_ =	shalt  }
0x61: {  	_ =	shalt  }
0x62: {  	_ =	shalt  }
0x63: {  	_ =	shalt  }
0x64: {  	_ =	shalt  }
0x65: {  	_ =	shalt  }
0x66: {  	_ =	shalt  }
0x67: {  	_ =	shalt  }
0x68: {  	_ =	shalt  }
0x69: {  	_ =	shalt  }
0x6a: {  	_ =	shalt  }
0x6b: {  	_ =	shalt  }
0x6c: {  	_ =	shalt  }
0x6d: {  	_ =	shalt  }
0x6e: {  	_ =	shalt  }
0x6f: {  	_ =	shalt  }
0x70: {  	_ =	shalt  }
0x71: {  	_ =	shalt  }
0x72: {  	_ =	shalt  }
0x73: {  	_ =	shalt  }
0x74: {  	_ =	shalt  }
0x75: {  	_ =	shalt  }
0x76: {  	_ =	shalt  }
0x77: {  	_ =	shalt  }
0x78: {  	_ =	shalt  }
0x79: {  	_ =	shalt  }
0x7a: {  	_ =	shalt  }
0x7b: {  	_ =	shalt  }
0x7c: {  	_ =	shalt  }
0x7d: {  	_ =	shalt  }
0x7e: {  	_ =	shalt  }
0x7f: {  	_ =	shalt  }
0x80: {  	_ =	shalt  }
0x81: {  	_ =	shalt  }
0x82: {  	_ =	shalt  }
0x83: {  	_ =	shalt  }
0x84: {  	_ =	shalt  }
0x85: {  	_ =	shalt  }
0x86: {  	_ =	shalt  }
0x87: {  	_ =	shalt  }
.Lfunc_end0:
.L_simem_size_0:
called_computation_lowered:
.L_overlay_start_0:
0x88: {  	s2 =	sld [smem:$0x3FD9]  }
0x89: {  	s3 =	sld [smem:$0x3FFE];
	_ =	sdelay $0x1  }
0x8a: {  	s1 =	srdreg.scid  }
0x8b: {  	s0 =	sand.u32 $0x1, s1  }
0x8c: {  	s18 =	sshll.u32 s0, $0xA;
	s2 =	sadd.s32 s3, s2  }
0x8d: {  	s2 =	sadd.s32 s2, s18  }
0x8e: {  	[smem:$0x3FC6] =	sst s2  }
0x8f: {  	_ = 	snop  }
0x90: {  	s2 =	sld [smem:$0x3FC9]  }
0x91: {  	s19 =	sld [smem:$0x3FC8]  }
0x92: {  	s4 =	sld [smem:$0x3FD0];
	(tm) =	ssettm $0x1  }
0x93: {  	s5 =	sld [smem:$0x3FFB];
	_ =	sdelay $0x3  }
0x94: {  	_ =	strace s5  }
0x95: {  	s5 =	sld [smem:$0x3FFC];
	_ =	sdelay $0x3  }
0x96: {  	_ =	strace s5  }
0x97: {  	s5 =	sld [smem:$0x3FFD];
	_ =	sdelay $0x3  }
0x98: {  	_ =	strace s5  }
0x99: {  	_ =	strace $0x8FFFFFFF  }
0x9a: {  	s20 =	sld [smem:$0x3FDB];
	_ =	sdelay $0x1  }
0x9b: {  	s6 =	simm.s32 $_scs_section_size  }
0x9c: {  	s7 =	simm.s32 $_size__tile_overlayer_lowered;
	s8 =	simm.s32 $_tile_overlayer_lowered  }
0x9d: {  	s23 =	simm.s32 $0x1BFF;
	s22 =	sshll.u32 s8, $0x1;
	s5 =	sadd.s32 s6, s20  }
0x9e: {  	s9 =	simm.s32 $0x0;
	s21 =	sshll.u32 s7, $0x1;
	s7 =	sadd.s32 s22, s5  }
0x9f: {  	[timem:s9], [sflag:s23] =	dma.local [hbm:s7], s21  }
0xa0: {  	_ =	swait.ge [sflag:s23], s21  }
0xa1: {  	s6 =	ssub.s32 $0x0, s21;
	[sflag:s23] =	ssyncset.done $0x0  }
0xa2: {  	[sflag:s23] =	ssyncadd.s32 s6;
	_ =	sdelay $0x1  }
0xa3: {  	s24 =	simm.s32 $0x1B8B  }
0xa4: {  	_ =	swait.ge [sflag:s24], $0x1  }
0xa5: {  	[sflag:s24] =	ssyncset.done $0x0  }
0xa6: {  	s25 =	simm.s32 $0x1B8E;
	[sflag:s24] =	ssyncadd.s32 $0xFFFFFFFF  }
0xa7: {  	s26 =	simm.s32 $execute0_lowered;
	[smem:$0x3FD2] =	sst s25  }
0xa8: {  	s6 =	sshll.u32 s26, $0x1;
	_ =	strace $0x80000046;
	[dreg:$0x1] =	wrdreg $0xFFFFFFFF  }
0xa9: {  	s28 =	simm.s32 $_size_execute0_lowered;
	s5 =	sadd.s32 s5, s6;
	[dreg:$0x0] =	wrdreg $0x0  }
0xaa: {  	s6 =	sshll.u32 s28, $0x1;
	[dreg:$0x2] =	wrdreg s5  }
0xab: {  	[dreg:$0x3] =	wrdreg s6  }
0xac: {  	[dreg:$0x4] =	wrdreg $0xC0  }
0xad: {  	_ =	task [dreg:s9], $0x5FFFF  }
0xae: {  	[dreg:$0x1] =	wrdreg $0xFFFFFFFF  }
0xaf: {  	[dreg:$0x0] =	wrdreg $0x60  }
0xb0: {  	[dreg:$0x2] =	wrdreg s19  }
0xb1: {  	[dreg:$0x3] =	wrdreg s2  }
0xb2: {  	[dreg:$0x4] =	wrdreg s4  }
0xb3: {  	[dreg:$0x5] =	wrdreg $0x9  }
0xb4: {  	_ =	task.clear_ibuf [dreg:s9], $0x6FFFF;
	_ =	strace $0x90000046  }
0xb5: {  	s29 =	simm.s32 $0x9;
	_ =	strace $0x80000048  }
0xb6: {  	_ =	swait.ge [sflag:s29], $0x1  }
0xb7: {  	[sflag:s29] =	ssyncadd.s32 $0xFFFFFFFF  }
0xb8: {  	_ =	strace $0x90000048  }
0xb9: {  	_ =	sfence  }
0xba: {  	s30 =	sld [smem:$0x0];
	_ =	sdelay $0x2  }
0xbb: {  	s31 =	sshll.u32 s1, $0xD;
	s1 =	sshrl.u32 s1, $0x2  }
0xbc: {  	s3 =	sand.u32 $0x4000, s31;
	s1 =	sadd.s32 s1, s30  }
0xbd: {  	s0 =	sor.u32 s3, s0;
	s1 =	sshll.u32 s1, $0x11  }
0xbe: {  	s0 =	sor.u32 s1, s0  }
0xbf: {  	s0 =	sadd.s32 $0x8F2B, s0  }
0xc0: {  	[sflag:s0] =	ssyncadd.remote.s32 $0x1  }
0xc1: {  	_ =	sfence.sel $0xFFFF  }
0xc2: {  	[dreg:$0x0] =	wrdreg $0xFFFFFFFF;
	(pc) =	sbr.abs _section_cstart, $3  }
0xc3: {  	[dreg:$0x1] =	wrdreg $0xFFFFFFFF  }
0xc4: {  	_ =	task.clear_ibuf [dreg:s9], $0x2FFFF;
	_ =	strace $0x9FFFFFFF  }
0xc5: {  	(tm) =	ssettm $0x7FFFFFFF  }
tec
execute0_lowered:
.L_overlay_start_1:
0x0: {  	(tag) =	ssettag $0x1  }
0x1: {  	s1 =	rddreg [dreg:$0x0]  }
0x2: {  	s2 =	rddreg [dreg:$0x1]  }
0x3: {  	s5 =	rddreg [dreg:$0x2]  }
0x4: {  	s0 =	rddreg [dreg:$0x3];
	s3 =	simm.s32 $0x0;
	s4 =	srdreg.scid  }
0x5: {  	[smem:$0x7FF] =	sst s3;
	s6 =	sand.u32 $0x1, s4  }
0x6: {  	s4 =	stileid.u32;
	_ =	strace $0x80000047;
	s7 =	ssub.s32 $0x2, s6  }
0x7: {  	s9 =	sshll.u32 s6, $0x7;
	s10 =	sshll.u32 s4, $0x3;
	s8 =	sshrl.u32 s7, $0x1  }
0x8: {  	p0 =	seq.s32 s6, $0x0;
	s21 =	sor.u32 s10, s9;
	s7 =	ssub.s32 s7, s8  }
0x9: {  	s22 =	sadd.s32 $0xFFFFFF80, s21;
	s9 =	sor.u32 $0x1, s21;
	s10 =	sadd.s32 $0xFFFFFF81, s21  }
0xa: {  	s11 =	sor.u32 $0x2, s21;
	s12 =	sadd.s32 $0xFFFFFF82, s21;
	s13 =	sor.u32 $0x3, s21  }
0xb: {  	v8 =	vlaneseq.u32;
	v0 =	vmov s21;
	s23 =	sadd.s32 $0xFFFFFF83, s21;
	s14 =	sor.u32 $0x4, s21;
	s15 =	sadd.s32 $0xFFFFFF84, s21  }
0xc: {  	s24 =	sor.u32 $0x5, s21;
	s25 =	sadd.s32 $0xFFFFFF85, s21;
	s26 =	sshll.u32 s21, $0x7;
	v1 =	vmov s9;
	v0 =	vpsel !p0, s22, v0;
	v2 =	vmov s11  }
0xd: {  	s28 =	sor.u32 $0x6, s21;
	s29 =	sadd.s32 $0xFFFFFF86, s21;
	s30 =	sor.u32 $0x7, s21;
	v3 =	vmov s13;
	v4 =	vmov s14;
	v5 =	vmov s24  }
0xe: {  	s31 =	sadd.s32 $0xFFFFFF87, s21;
	s8 =	simm.s32 $0x1;
	s5 =	sadd.s32 s5, s26;
	v6 =	vmov s28;
	v7 =	vmov s30;
	v1 =	vpsel !p0, s10, v1  }
0xf: {  	s7 =	smax.u32 s7, $0x1;
	s9 =	simm.s32 $0x1C00;
	s11 =	simm.s32 $0x2;
	v2 =	vpsel !p0, s12, v2;
	v3 =	vpsel !p0, s23, v3;
	v4 =	vpsel !p0, s15, v4  }
0x10: {  	s6 =	sadd.s32 $0x8000, s5;
	v5 =	vpsel !p0, s25, v5;
	v6 =	vpsel !p0, s29, v6;
	v7 =	vpsel !p0, s31, v7;
	s10 =	simm.s32 $0x3800;
	s12 =	simm.s32 $0x0  }
.LBB2_1:
0x11: {  	v9 =	vmov s3  }
0x12: {  	v10 =	vor.u32 s3, v8;
	v9 =	vshrl.u32 v9, $0x5  }
0x13: {  	[tilespmem:s3], [sflag:$0x1] =	stream.linear.gather [hbm4b:s1+s3], $0x1900, $0x38;
	v10 =	vand.u32 $0x1F, v10;
	v9 =	vadd.s32 $0x38, v9;
	[tilespmem:$0x5800] =	vst v63  }
0x14: {  	_ =	swait.ge [sflag:s8], $0x1900;
	v9 =	vpsel p0, v10, v9  }
0x15: {  	[sflag:s8] =	ssyncset.done $0x0;
	v9 =	vshll.u32 v9, $0x7  }
0x16: {  	s14 =	simm.s32 $0x10;
	[sflag:s8] =	ssyncadd.s32 $0xFFFFE700;
	v9 =	vadd.s32 v0, v9  }
0x17: {  	v10 =	vmov s14;
	[tilespmem:s9], [sflag:$0x1] =	stream.linear.gather [hbm4b:s2+s3], $0x1900, $0x38;
	[tilespmem:$0x5800] =	vst v63  }
0x18: {  	v11 =	vor.u32 s14, v8;
	v10 =	vshrl.u32 v10, $0x5;
	_ =	swait.ge [sflag:s8], $0x1900  }
0x19: {  	v11 =	vand.u32 $0x1F, v11;
	v10 =	vadd.s32 $0x38, v10;
	[sflag:s8] =	ssyncset.done $0x0  }
0x1a: {  	v10 =	vpsel p0, v11, v10;
	[sflag:s8] =	ssyncadd.s32 $0xFFFFE700  }
0x1b: {  	v11 =	vshll.u32 v10, $0x7;
	v10 =	vld.idx.msk [tilespmem:v9+s3+$0x0], $0xffff  }
0x1c: {  	v9 =	vadd.s32 v0, v11  }
0x1d: {  	s15 =	simm.s32 $0x20;
	s17 =	simm.s32 $0x30  }
0x1e: {  	s18 =	sand.u32 $0x70, s3;
	s19 =	sand.u32 $0x1C00, s3;
	s16 =	simm.s32 $0x0;
	v11 =	vmov s15  }
.LBB2_2:
0x1f: {  	p1 =	sne.s32 s17, $0x3F0;
	v12 =	vor.u32 s15, v8;
	v11 =	vshrl.u32 v11, $0x5;
	s18 =	sor.u32 s18, s19;
	s19 =	smov.u32 s14  }
0x20: {  	s13 =	simm.s32 $0x0;
	s14 =	smov.u32 s15;
	s15 =	smov.u32 s17;
	v12 =	vand.u32 $0x1F, v12;
	v11 =	vadd.s32 $0x38, v11;
	[tilespmem:s18+$0x3800] =	vst v10  }
.Ltmp0:
0x21: {  	v11 =	vpsel p0, v12, v11;
	v10 =	vld.idx.msk [tilespmem:v9+s13+$0x0], $0xffff;
	(pc) =	sbr.rel @p1 .LBB2_2-.Ltmp0, $4  }
0x22: {  	v9 =	vshll.u32 v11, $0x7  }
0x23: {  	v9 =	vadd.s32 v0, v9  }
0x24: {  	s16 =	sadd.s32 $0x80, s16  }
0x25: {  	s17 =	sadd.s32 $0x10, s17;
	s18 =	sand.u32 $0x70, s19;
	s19 =	sand.u32 $0x1C00, s16;
	v11 =	vmov s15  }
0x26: {  	_ = 	snop  }
0x27: {  	v12 =	vor.u32 s15, v8;
	v11 =	vshrl.u32 v11, $0x5  }
0x28: {  	s17 =	sor.u32 s18, s19;
	v12 =	vand.u32 $0x1F, v12;
	v11 =	vadd.s32 $0x38, v11  }
0x29: {  	[tilespmem:s17+$0x3800] =	vst v10;
	v10 =	vpsel p0, v12, v11  }
0x2a: {  	v9 =	vld.idx.msk [tilespmem:v9+s13+$0x0], $0xffff;
	v10 =	vshll.u32 v10, $0x7  }
0x2b: {  	v10 =	vadd.s32 v0, v10  }
0x2c: {  	s16 =	sadd.s32 $0x80, s16  }
0x2d: {  	s14 =	sand.u32 $0x70, s14;
	s29 =	sand.u32 $0x1C00, s16  }
0x2e: {  	s14 =	sor.u32 s14, s29  }
0x2f: {  	[tilespmem:s14+$0x3800] =	vst v9  }
0x30: {  	p2 =	por $0x1, $0x1;
	v10 =	vld.idx.msk [tilespmem:v10+s13+$0x0], $0xffff  }
.Ltmp1:
0x31: {  	_ = 	snop;
	(pc) =	sbr.rel @!p2 .LBB2_9-.Ltmp1, $4  }
0x32: {  	s30 =	sadd.s32 $0x80, s16  }
0x33: {  	s31 =	sand.u32 $0x70, s15;
	p3 =	por $0x0, $0x0;
	s14 =	sand.u32 $0x1C00, s30  }
0x34: {  	p1 =	por $0x0, $0x0;
	p4 =	por $0x0, $0x0;
	v9 =	vmov s13;
	s15 =	sor.u32 s31, s14  }
0x35: {  	s17 =	simm.s32 $0x0;
	s14 =	simm.s32 $0x10;
	v12 =	vmov v9;
	[tilespmem:s15+$0x3800] =	vst v10;
	s15 =	simm.s32 $0x0  }
0x36: {  	p4 =	por $0x1, $0x1  }
.Ltmp2:
0x37: {  	v10 =	vor.u32 s13, v8;
	v11 =	vshrl.u32 v9, $0x5;
	(pc) =	sbr.rel @!p4 .LBB2_5-.Ltmp2, $4  }
0x38: {  	v10 =	vand.u32 $0x1F, v10;
	v11 =	vadd.s32 $0x38, v11  }
0x39: {  	v10 =	vpsel p0, v10, v11  }
0x3a: {  	v10 =	vshll.u32 v10, $0x7  }
0x3b: {  	v12 =	vmov s14;
	s15 =	simm.s32 $0x20;
	p3 =	por $0x1, $0x1;
	v10 =	vadd.s32 v1, v10  }
0x3c: {  	_ = 	snop  }
0x3d: {  	v11 =	vor.u32 s14, v8;
	v12 =	vshrl.u32 v12, $0x5  }
0x3e: {  	p5 =	por $0x1, $0x1;
	v11 =	vand.u32 $0x1F, v11;
	v12 =	vadd.s32 $0x38, v12  }
.Ltmp3:
0x3f: {  	v12 =	vpsel p0, v11, v12;
	(pc) =	sbr.rel @!p5 .LBB2_7-.Ltmp3, $4  }
0x40: {  	v11 =	vld.idx.msk [tilespmem:v10+s13+$0x0], $0xffff;
	v10 =	vshll.u32 v12, $0x7  }
0x41: {  	v10 =	vadd.s32 v1, v10  }
0x42: {  	s20 =	simm.s32 $0x30;
	s19 =	sand.u32 $0x70, s13;
	s18 =	sand.u32 $0x1C00, s13  }
0x43: {  	p4 =	por $0x1, $0x1;
	s16 =	simm.s32 $0x10;
	s17 =	simm.s32 $0x0;
	v12 =	vmov s15  }
.LBB2_8:
0x44: {  	p5 =	sne.s32 s20, $0x3F0;
	v13 =	vor.u32 s15, v8;
	v12 =	vshrl.u32 v12, $0x5;
	s18 =	sor.u32 s19, s18;
	s19 =	smov.u32 s16  }
0x45: {  	s16 =	smov.u32 s15;
	s15 =	smov.u32 s20;
	v13 =	vand.u32 $0x1F, v13;
	v12 =	vadd.s32 $0x38, v12;
	[tilespmem:s18+$0x3880] =	vst v11  }
.Ltmp4:
0x46: {  	v12 =	vpsel p0, v13, v12;
	v11 =	vld.idx.msk [tilespmem:v10+s13+$0x0], $0xffff;
	(pc) =	sbr.rel @p5 .LBB2_8-.Ltmp4, $4  }
0x47: {  	v10 =	vshll.u32 v12, $0x7  }
0x48: {  	v10 =	vadd.s32 v1, v10  }
0x49: {  	s17 =	sadd.s32 $0x80, s17  }
0x4a: {  	s20 =	sadd.s32 $0x10, s20;
	s19 =	sand.u32 $0x70, s19;
	s18 =	sand.u32 $0x1C00, s17;
	v12 =	vmov s15  }
.LBB2_9:
0x4b: {  	_ =	sdelay $0x1  }
0x4c: {  	v13 =	vor.u32 s15, v8;
	v12 =	vshrl.u32 v12, $0x5;
	s18 =	sor.u32 @p4 s19, s18  }
0x4d: {  	v13 =	vand.u32 $0x1F, v13;
	v12 =	vadd.s32 $0x38, v12;
	[tilespmem:s18+$0x3880] =	vst @p4 v11  }
0x4e: {  	v11 =	vpsel p0, v13, v12;
	v10 =	vld.idx.msk @p3 [tilespmem:v10+s13+$0x0], $0xffff  }
0x4f: {  	s17 =	sadd.s32 @p4 $0x80, s17;
	s18 =	simm.s32 $0x0;
	v11 =	vshll.u32 v11, $0x7  }
0x50: {  	s18 =	smov.u32 @p4 s17;
	v11 =	vadd.s32 v1, v11  }
0x51: {  	s16 =	sand.u32 @p3 $0x70, s16;
	s17 =	sand.u32 @p3 $0x1C00, s18  }
0x52: {  	s16 =	smov.u32 @p3 s16;
	s17 =	smov.u32 @p3 s17  }
0x53: {  	s16 =	sor.u32 @p3 s16, s17;
	v10 =	vpsel p3, v10, v0  }
0x54: {  	[tilespmem:s16+$0x3880] =	vst @p3 v10  }
0x55: {  	v10 =	vld.idx.msk [tilespmem:v11+s13+$0x0], $0xffff  }
.Ltmp5:
0x56: {  	s17 =	simm.s32 $0x0;
	s16 =	sadd.s32 @p3 $0x80, s18;
	(pc) =	sbr.rel @!p2 .LBB2_10-.Ltmp5, $4  }
0x57: {  	s17 =	smov.u32 @p3 s16  }
0x58: {  	s31 =	sand.u32 $0x70, s15;
	s16 =	sand.u32 $0x1C00, s17  }
0x59: {  	s15 =	sor.u32 s31, s16  }
0x5a: {  	[tilespmem:s15+$0x3880] =	vst v10  }
0x5b: {  	p3 =	por $0x1, $0x1  }
.Ltmp6:
0x5c: {  	v10 =	vor.u32 s13, v8;
	v9 =	vshrl.u32 v9, $0x5;
	(pc) =	sbr.rel @!p3 .LBB2_12-.Ltmp6, $4  }
0x5d: {  	v10 =	vand.u32 $0x1F, v10;
	v9 =	vadd.s32 $0x38, v9  }
0x5e: {  	v9 =	vpsel p0, v10, v9  }
0x5f: {  	v9 =	vshll.u32 v9, $0x7  }
0x60: {  	s15 =	simm.s32 $0x20;
	p2 =	por $0x1, $0x1;
	v10 =	vadd.s32 v2, v9;
	v9 =	vmov s14  }
0x61: {  	_ = 	snop  }
0x62: {  	v11 =	vor.u32 s14, v8;
	v9 =	vshrl.u32 v9, $0x5  }
0x63: {  	p3 =	por $0x1, $0x1;
	v11 =	vand.u32 $0x1F, v11;
	v9 =	vadd.s32 $0x38, v9  }
.Ltmp7:
0x64: {  	s17 =	simm.s32 $0x0;
	v9 =	vpsel p0, v11, v9;
	(pc) =	sbr.rel @!p3 .LBB2_14-.Ltmp7, $4  }
0x65: {  	v11 =	vld.idx.msk [tilespmem:v10+s17+$0x0], $0xffff;
	v9 =	vshll.u32 v9, $0x7  }
0x66: {  	v10 =	vadd.s32 v2, v9  }
0x67: {  	s18 =	simm.s32 $0x30;
	s19 =	sand.u32 $0x70, s13  }
0x68: {  	s20 =	sand.u32 $0x1C00, s13;
	p1 =	por $0x1, $0x1;
	s16 =	simm.s32 $0x0;
	v9 =	vmov s15  }
.LBB2_15:
0x69: {  	p3 =	sne.s32 s18, $0x3F0;
	v12 =	vor.u32 s15, v8;
	v9 =	vshrl.u32 v9, $0x5;
	s19 =	sor.u32 s19, s20;
	s20 =	smov.u32 s14  }
0x6a: {  	s14 =	smov.u32 s15;
	s15 =	smov.u32 s18;
	v12 =	vand.u32 $0x1F, v12;
	v9 =	vadd.s32 $0x38, v9;
	[tilespmem:s19+$0x3900] =	vst v11  }
.Ltmp8:
0x6b: {  	v9 =	vpsel p0, v12, v9;
	v11 =	vld.idx.msk [tilespmem:v10+s17+$0x0], $0xffff;
	(pc) =	sbr.rel @p3 .LBB2_15-.Ltmp8, $4  }
0x6c: {  	v9 =	vshll.u32 v9, $0x7  }
0x6d: {  	v10 =	vadd.s32 v2, v9  }
0x6e: {  	s16 =	sadd.s32 $0x80, s16  }
0x6f: {  	s18 =	sadd.s32 $0x10, s18;
	s19 =	sand.u32 $0x70, s20;
	s20 =	sand.u32 $0x1C00, s16;
	v9 =	vmov s15  }
.LBB2_16:
0x70: {  	_ =	sdelay $0x1  }
0x71: {  	v12 =	vor.u32 s15, v8;
	v9 =	vshrl.u32 v9, $0x5;
	s17 =	sor.u32 @p1 s19, s20  }
0x72: {  	s18 =	simm.s32 @p2 $0x0;
	v12 =	vand.u32 $0x1F, v12;
	v9 =	vadd.s32 $0x38, v9;
	[tilespmem:s17+$0x3900] =	vst @p1 v11  }
0x73: {  	v9 =	vpsel p0, v12, v9;
	v10 =	vld.idx.msk @p2 [tilespmem:v10+s18+$0x0], $0xffff  }
0x74: {  	s16 =	sadd.s32 @p1 $0x80, s16;
	s17 =	simm.s32 $0x0;
	v9 =	vshll.u32 v9, $0x7  }
0x75: {  	s17 =	smov.u32 @p1 s16;
	v9 =	vadd.s32 v2, v9  }
0x76: {  	s14 =	sand.u32 @p2 $0x70, s14;
	s16 =	sand.u32 @p2 $0x1C00, s17  }
0x77: {  	s14 =	smov.u32 @p2 s14;
	s16 =	smov.u32 @p2 s16  }
0x78: {  	s16 =	sor.u32 @p2 s14, s16;
	v10 =	vpsel p2, v10, v0  }
0x79: {  	s14 =	simm.s32 $0x0;
	[tilespmem:s16+$0x3900] =	vst @p2 v10;
	s16 =	sadd.s32 @p2 $0x80, s17  }
0x7a: {  	v10 =	vld.idx.msk [tilespmem:v9+s14+$0x0], $0xffff;
	s13 =	smov.u32 @p2 s16;
	p2 =	por $0x1, $0x1  }
.Ltmp9:
0x7b: {  	_ = 	snop;
	(pc) =	sbr.rel @!p2 .LBB2_22-.Ltmp9, $4  }
0x7c: {  	_ = 	snop  }
0x7d: {  	s31 =	sand.u32 $0x70, s15;
	p3 =	por $0x0, $0x0;
	s13 =	sand.u32 $0x1C00, s13  }
0x7e: {  	p4 =	por $0x0, $0x0;
	p1 =	por $0x0, $0x0;
	v9 =	vmov s14;
	s15 =	sor.u32 s31, s13  }
0x7f: {  	s17 =	simm.s32 $0x0;
	v12 =	vmov v9;
	s13 =	simm.s32 $0x10;
	[tilespmem:s15+$0x3900] =	vst v10;
	s15 =	simm.s32 $0x0  }
0x80: {  	p4 =	por $0x1, $0x1  }
.Ltmp10:
0x81: {  	v10 =	vor.u32 s14, v8;
	v11 =	vshrl.u32 v9, $0x5;
	(pc) =	sbr.rel @!p4 .LBB2_18-.Ltmp10, $4  }
0x82: {  	v10 =	vand.u32 $0x1F, v10;
	v11 =	vadd.s32 $0x38, v11  }
0x83: {  	v10 =	vpsel p0, v10, v11  }
0x84: {  	v10 =	vshll.u32 v10, $0x7  }
0x85: {  	v12 =	vmov s13;
	s15 =	simm.s32 $0x20;
	p3 =	por $0x1, $0x1;
	v10 =	vadd.s32 v3, v10  }
0x86: {  	_ = 	snop  }
0x87: {  	v11 =	vor.u32 s13, v8;
	v12 =	vshrl.u32 v12, $0x5  }
0x88: {  	p5 =	por $0x1, $0x1;
	v11 =	vand.u32 $0x1F, v11;
	v12 =	vadd.s32 $0x38, v12  }
.Ltmp11:
0x89: {  	v12 =	vpsel p0, v11, v12;
	(pc) =	sbr.rel @!p5 .LBB2_20-.Ltmp11, $4  }
0x8a: {  	v11 =	vld.idx.msk [tilespmem:v10+s14+$0x0], $0xffff;
	v10 =	vshll.u32 v12, $0x7  }
0x8b: {  	v10 =	vadd.s32 v3, v10  }
0x8c: {  	s20 =	simm.s32 $0x30;
	s19 =	sand.u32 $0x70, s14;
	s18 =	sand.u32 $0x1C00, s14  }
0x8d: {  	p4 =	por $0x1, $0x1;
	s16 =	simm.s32 $0x10;
	s17 =	simm.s32 $0x0;
	v12 =	vmov s15  }
.LBB2_21:
0x8e: {  	p5 =	sne.s32 s20, $0x3F0;
	v13 =	vor.u32 s15, v8;
	v12 =	vshrl.u32 v12, $0x5;
	s18 =	sor.u32 s19, s18;
	s19 =	smov.u32 s16  }
0x8f: {  	s16 =	smov.u32 s15;
	s15 =	smov.u32 s20;
	v13 =	vand.u32 $0x1F, v13;
	v12 =	vadd.s32 $0x38, v12;
	[tilespmem:s18+$0x3980] =	vst v11  }
.Ltmp12:
0x90: {  	v12 =	vpsel p0, v13, v12;
	v11 =	vld.idx.msk [tilespmem:v10+s14+$0x0], $0xffff;
	(pc) =	sbr.rel @p5 .LBB2_21-.Ltmp12, $4  }
0x91: {  	v10 =	vshll.u32 v12, $0x7  }
0x92: {  	v10 =	vadd.s32 v3, v10  }
0x93: {  	s17 =	sadd.s32 $0x80, s17  }
0x94: {  	s20 =	sadd.s32 $0x10, s20;
	s19 =	sand.u32 $0x70, s19;
	s18 =	sand.u32 $0x1C00, s17;
	v12 =	vmov s15  }
.LBB2_22:
0x95: {  	_ =	sdelay $0x1  }
0x96: {  	v13 =	vor.u32 s15, v8;
	v12 =	vshrl.u32 v12, $0x5;
	s18 =	sor.u32 @p4 s19, s18  }
0x97: {  	v13 =	vand.u32 $0x1F, v13;
	v12 =	vadd.s32 $0x38, v12;
	[tilespmem:s18+$0x3980] =	vst @p4 v11  }
0x98: {  	v11 =	vpsel p0, v13, v12;
	v10 =	vld.idx.msk @p3 [tilespmem:v10+s14+$0x0], $0xffff  }
0x99: {  	s17 =	sadd.s32 @p4 $0x80, s17;
	s18 =	simm.s32 $0x0;
	v11 =	vshll.u32 v11, $0x7  }
0x9a: {  	s18 =	smov.u32 @p4 s17;
	v11 =	vadd.s32 v3, v11  }
0x9b: {  	s16 =	sand.u32 @p3 $0x70, s16;
	s17 =	sand.u32 @p3 $0x1C00, s18  }
0x9c: {  	s16 =	smov.u32 @p3 s16;
	s17 =	smov.u32 @p3 s17  }
0x9d: {  	s16 =	sor.u32 @p3 s16, s17;
	v10 =	vpsel p3, v10, v0  }
0x9e: {  	[tilespmem:s16+$0x3980] =	vst @p3 v10  }
0x9f: {  	v10 =	vld.idx.msk [tilespmem:v11+s14+$0x0], $0xffff  }
.Ltmp13:
0xa0: {  	s17 =	simm.s32 $0x0;
	s16 =	sadd.s32 @p3 $0x80, s18;
	(pc) =	sbr.rel @!p2 .LBB2_23-.Ltmp13, $4  }
0xa1: {  	s17 =	smov.u32 @p3 s16  }
0xa2: {  	s31 =	sand.u32 $0x70, s15;
	s16 =	sand.u32 $0x1C00, s17  }
0xa3: {  	s15 =	sor.u32 s31, s16  }
0xa4: {  	[tilespmem:s15+$0x3980] =	vst v10  }
0xa5: {  	p3 =	por $0x1, $0x1  }
.Ltmp14:
0xa6: {  	v10 =	vor.u32 s14, v8;
	v9 =	vshrl.u32 v9, $0x5;
	(pc) =	sbr.rel @!p3 .LBB2_25-.Ltmp14, $4  }
0xa7: {  	v10 =	vand.u32 $0x1F, v10;
	v9 =	vadd.s32 $0x38, v9  }
0xa8: {  	v9 =	vpsel p0, v10, v9  }
0xa9: {  	v9 =	vshll.u32 v9, $0x7  }
0xaa: {  	s15 =	simm.s32 $0x20;
	p2 =	por $0x1, $0x1;
	v10 =	vadd.s32 v4, v9;
	v9 =	vmov s13  }
0xab: {  	_ = 	snop  }
0xac: {  	v11 =	vor.u32 s13, v8;
	v9 =	vshrl.u32 v9, $0x5  }
0xad: {  	p3 =	por $0x1, $0x1;
	v11 =	vand.u32 $0x1F, v11;
	v9 =	vadd.s32 $0x38, v9  }
.Ltmp15:
0xae: {  	s17 =	simm.s32 $0x0;
	v9 =	vpsel p0, v11, v9;
	(pc) =	sbr.rel @!p3 .LBB2_27-.Ltmp15, $4  }
0xaf: {  	v11 =	vld.idx.msk [tilespmem:v10+s17+$0x0], $0xffff;
	v9 =	vshll.u32 v9, $0x7  }
0xb0: {  	v10 =	vadd.s32 v4, v9  }
0xb1: {  	s18 =	simm.s32 $0x30;
	s19 =	sand.u32 $0x70, s14  }
0xb2: {  	s20 =	sand.u32 $0x1C00, s14;
	p1 =	por $0x1, $0x1;
	s16 =	simm.s32 $0x0;
	v9 =	vmov s15  }
.LBB2_28:
0xb3: {  	p3 =	sne.s32 s18, $0x3F0;
	v12 =	vor.u32 s15, v8;
	v9 =	vshrl.u32 v9, $0x5;
	s19 =	sor.u32 s19, s20;
	s20 =	smov.u32 s13  }
0xb4: {  	s13 =	smov.u32 s15;
	s15 =	smov.u32 s18;
	v12 =	vand.u32 $0x1F, v12;
	v9 =	vadd.s32 $0x38, v9;
	[tilespmem:s19+$0x3A00] =	vst v11  }
.Ltmp16:
0xb5: {  	v9 =	vpsel p0, v12, v9;
	v11 =	vld.idx.msk [tilespmem:v10+s17+$0x0], $0xffff;
	(pc) =	sbr.rel @p3 .LBB2_28-.Ltmp16, $4  }
0xb6: {  	v9 =	vshll.u32 v9, $0x7  }
0xb7: {  	v10 =	vadd.s32 v4, v9  }
0xb8: {  	s16 =	sadd.s32 $0x80, s16  }
0xb9: {  	s18 =	sadd.s32 $0x10, s18;
	s19 =	sand.u32 $0x70, s20;
	s20 =	sand.u32 $0x1C00, s16;
	v9 =	vmov s15  }
.LBB2_29:
0xba: {  	_ =	sdelay $0x1  }
0xbb: {  	v12 =	vor.u32 s15, v8;
	v9 =	vshrl.u32 v9, $0x5;
	s17 =	sor.u32 @p1 s19, s20  }
0xbc: {  	s18 =	simm.s32 @p2 $0x0;
	v12 =	vand.u32 $0x1F, v12;
	v9 =	vadd.s32 $0x38, v9;
	[tilespmem:s17+$0x3A00] =	vst @p1 v11  }
0xbd: {  	v9 =	vpsel p0, v12, v9;
	v10 =	vld.idx.msk @p2 [tilespmem:v10+s18+$0x0], $0xffff  }
0xbe: {  	s16 =	sadd.s32 @p1 $0x80, s16;
	s17 =	simm.s32 $0x0;
	v9 =	vshll.u32 v9, $0x7  }
0xbf: {  	s17 =	smov.u32 @p1 s16;
	v9 =	vadd.s32 v4, v9  }
0xc0: {  	s13 =	sand.u32 @p2 $0x70, s13;
	s16 =	sand.u32 @p2 $0x1C00, s17  }
0xc1: {  	s13 =	smov.u32 @p2 s13;
	s16 =	smov.u32 @p2 s16  }
0xc2: {  	s16 =	sor.u32 @p2 s13, s16;
	v10 =	vpsel p2, v10, v0  }
0xc3: {  	s13 =	simm.s32 $0x0;
	[tilespmem:s16+$0x3A00] =	vst @p2 v10;
	s16 =	sadd.s32 @p2 $0x80, s17  }
0xc4: {  	v10 =	vld.idx.msk [tilespmem:v9+s13+$0x0], $0xffff;
	s14 =	smov.u32 @p2 s16;
	p2 =	por $0x1, $0x1  }
.Ltmp17:
0xc5: {  	_ = 	snop;
	(pc) =	sbr.rel @!p2 .LBB2_35-.Ltmp17, $4  }
0xc6: {  	_ = 	snop  }
0xc7: {  	s31 =	sand.u32 $0x70, s15;
	p3 =	por $0x0, $0x0;
	s14 =	sand.u32 $0x1C00, s14  }
0xc8: {  	p4 =	por $0x0, $0x0;
	p1 =	por $0x0, $0x0;
	v9 =	vmov s13;
	s15 =	sor.u32 s31, s14  }
0xc9: {  	s17 =	simm.s32 $0x0;
	v12 =	vmov v9;
	s14 =	simm.s32 $0x10;
	[tilespmem:s15+$0x3A00] =	vst v10;
	s15 =	simm.s32 $0x0  }
0xca: {  	p4 =	por $0x1, $0x1  }
.Ltmp18:
0xcb: {  	v10 =	vor.u32 s13, v8;
	v11 =	vshrl.u32 v9, $0x5;
	(pc) =	sbr.rel @!p4 .LBB2_31-.Ltmp18, $4  }
0xcc: {  	v10 =	vand.u32 $0x1F, v10;
	v11 =	vadd.s32 $0x38, v11  }
0xcd: {  	v10 =	vpsel p0, v10, v11  }
0xce: {  	v10 =	vshll.u32 v10, $0x7  }
0xcf: {  	v12 =	vmov s14;
	s15 =	simm.s32 $0x20;
	p3 =	por $0x1, $0x1;
	v10 =	vadd.s32 v5, v10  }
0xd0: {  	_ = 	snop  }
0xd1: {  	v11 =	vor.u32 s14, v8;
	v12 =	vshrl.u32 v12, $0x5  }
0xd2: {  	p5 =	por $0x1, $0x1;
	v11 =	vand.u32 $0x1F, v11;
	v12 =	vadd.s32 $0x38, v12  }
.Ltmp19:
0xd3: {  	v12 =	vpsel p0, v11, v12;
	(pc) =	sbr.rel @!p5 .LBB2_33-.Ltmp19, $4  }
0xd4: {  	v11 =	vld.idx.msk [tilespmem:v10+s13+$0x0], $0xffff;
	v10 =	vshll.u32 v12, $0x7  }
0xd5: {  	v10 =	vadd.s32 v5, v10  }
0xd6: {  	s20 =	simm.s32 $0x30;
	s19 =	sand.u32 $0x70, s13;
	s18 =	sand.u32 $0x1C00, s13  }
0xd7: {  	p4 =	por $0x1, $0x1;
	s16 =	simm.s32 $0x10;
	s17 =	simm.s32 $0x0;
	v12 =	vmov s15  }
.LBB2_34:
0xd8: {  	p5 =	sne.s32 s20, $0x3F0;
	v13 =	vor.u32 s15, v8;
	v12 =	vshrl.u32 v12, $0x5;
	s18 =	sor.u32 s19, s18;
	s19 =	smov.u32 s16  }
0xd9: {  	s16 =	smov.u32 s15;
	s15 =	smov.u32 s20;
	v13 =	vand.u32 $0x1F, v13;
	v12 =	vadd.s32 $0x38, v12;
	[tilespmem:s18+$0x3A80] =	vst v11  }
.Ltmp20:
0xda: {  	v12 =	vpsel p0, v13, v12;
	v11 =	vld.idx.msk [tilespmem:v10+s13+$0x0], $0xffff;
	(pc) =	sbr.rel @p5 .LBB2_34-.Ltmp20, $4  }
0xdb: {  	v10 =	vshll.u32 v12, $0x7  }
0xdc: {  	v10 =	vadd.s32 v5, v10  }
0xdd: {  	s17 =	sadd.s32 $0x80, s17  }
0xde: {  	s20 =	sadd.s32 $0x10, s20;
	s19 =	sand.u32 $0x70, s19;
	s18 =	sand.u32 $0x1C00, s17;
	v12 =	vmov s15  }
.LBB2_35:
0xdf: {  	_ =	sdelay $0x1  }
0xe0: {  	v13 =	vor.u32 s15, v8;
	v12 =	vshrl.u32 v12, $0x5;
	s18 =	sor.u32 @p4 s19, s18  }
0xe1: {  	v13 =	vand.u32 $0x1F, v13;
	v12 =	vadd.s32 $0x38, v12;
	[tilespmem:s18+$0x3A80] =	vst @p4 v11  }
0xe2: {  	v11 =	vpsel p0, v13, v12;
	v10 =	vld.idx.msk @p3 [tilespmem:v10+s13+$0x0], $0xffff  }
0xe3: {  	s17 =	sadd.s32 @p4 $0x80, s17;
	s18 =	simm.s32 $0x0;
	v11 =	vshll.u32 v11, $0x7  }
0xe4: {  	s18 =	smov.u32 @p4 s17;
	v11 =	vadd.s32 v5, v11  }
0xe5: {  	s16 =	sand.u32 @p3 $0x70, s16;
	s17 =	sand.u32 @p3 $0x1C00, s18  }
0xe6: {  	s16 =	smov.u32 @p3 s16;
	s17 =	smov.u32 @p3 s17  }
0xe7: {  	s16 =	sor.u32 @p3 s16, s17;
	v10 =	vpsel p3, v10, v0  }
0xe8: {  	[tilespmem:s16+$0x3A80] =	vst @p3 v10  }
0xe9: {  	v10 =	vld.idx.msk [tilespmem:v11+s13+$0x0], $0xffff  }
.Ltmp21:
0xea: {  	s17 =	simm.s32 $0x0;
	s16 =	sadd.s32 @p3 $0x80, s18;
	(pc) =	sbr.rel @!p2 .LBB2_36-.Ltmp21, $4  }
0xeb: {  	s17 =	smov.u32 @p3 s16  }
0xec: {  	s31 =	sand.u32 $0x70, s15;
	s16 =	sand.u32 $0x1C00, s17  }
0xed: {  	s15 =	sor.u32 s31, s16  }
0xee: {  	[tilespmem:s15+$0x3A80] =	vst v10  }
0xef: {  	p3 =	por $0x1, $0x1  }
.Ltmp22:
0xf0: {  	v10 =	vor.u32 s13, v8;
	v9 =	vshrl.u32 v9, $0x5;
	(pc) =	sbr.rel @!p3 .LBB2_38-.Ltmp22, $4  }
0xf1: {  	v10 =	vand.u32 $0x1F, v10;
	v9 =	vadd.s32 $0x38, v9  }
0xf2: {  	v9 =	vpsel p0, v10, v9  }
0xf3: {  	v9 =	vshll.u32 v9, $0x7  }
0xf4: {  	s15 =	simm.s32 $0x20;
	p2 =	por $0x1, $0x1;
	v10 =	vadd.s32 v6, v9;
	v9 =	vmov s14  }
0xf5: {  	_ = 	snop  }
0xf6: {  	v11 =	vor.u32 s14, v8;
	v9 =	vshrl.u32 v9, $0x5  }
0xf7: {  	p3 =	por $0x1, $0x1;
	v11 =	vand.u32 $0x1F, v11;
	v9 =	vadd.s32 $0x38, v9  }
.Ltmp23:
0xf8: {  	s17 =	simm.s32 $0x0;
	v9 =	vpsel p0, v11, v9;
	(pc) =	sbr.rel @!p3 .LBB2_40-.Ltmp23, $4  }
0xf9: {  	v11 =	vld.idx.msk [tilespmem:v10+s17+$0x0], $0xffff;
	v9 =	vshll.u32 v9, $0x7  }
0xfa: {  	v10 =	vadd.s32 v6, v9  }
0xfb: {  	s18 =	simm.s32 $0x30;
	s19 =	sand.u32 $0x70, s13  }
0xfc: {  	s20 =	sand.u32 $0x1C00, s13;
	p1 =	por $0x1, $0x1;
	s16 =	simm.s32 $0x0;
	v9 =	vmov s15  }
.LBB2_41:
0xfd: {  	p3 =	sne.s32 s18, $0x3F0;
	v12 =	vor.u32 s15, v8;
	v9 =	vshrl.u32 v9, $0x5;
	s19 =	sor.u32 s19, s20;
	s20 =	smov.u32 s14  }
0xfe: {  	s14 =	smov.u32 s15;
	s15 =	smov.u32 s18;
	v12 =	vand.u32 $0x1F, v12;
	v9 =	vadd.s32 $0x38, v9;
	[tilespmem:s19+$0x3B00] =	vst v11  }
.Ltmp24:
0xff: {  	v9 =	vpsel p0, v12, v9;
	v11 =	vld.idx.msk [tilespmem:v10+s17+$0x0], $0xffff;
	(pc) =	sbr.rel @p3 .LBB2_41-.Ltmp24, $4  }
0x100: {  	v9 =	vshll.u32 v9, $0x7  }
0x101: {  	v10 =	vadd.s32 v6, v9  }
0x102: {  	s16 =	sadd.s32 $0x80, s16  }
0x103: {  	s18 =	sadd.s32 $0x10, s18;
	s19 =	sand.u32 $0x70, s20;
	s20 =	sand.u32 $0x1C00, s16;
	v9 =	vmov s15  }
.LBB2_42:
0x104: {  	_ =	sdelay $0x1  }
0x105: {  	v12 =	vor.u32 s15, v8;
	v9 =	vshrl.u32 v9, $0x5;
	s17 =	sor.u32 @p1 s19, s20  }
0x106: {  	s18 =	simm.s32 @p2 $0x0;
	v12 =	vand.u32 $0x1F, v12;
	v9 =	vadd.s32 $0x38, v9;
	[tilespmem:s17+$0x3B00] =	vst @p1 v11  }
0x107: {  	v9 =	vpsel p0, v12, v9;
	v10 =	vld.idx.msk @p2 [tilespmem:v10+s18+$0x0], $0xffff  }
0x108: {  	s16 =	sadd.s32 @p1 $0x80, s16;
	s17 =	simm.s32 $0x0;
	v9 =	vshll.u32 v9, $0x7  }
0x109: {  	s17 =	smov.u32 @p1 s16;
	v9 =	vadd.s32 v6, v9  }
0x10a: {  	s14 =	sand.u32 @p2 $0x70, s14;
	s16 =	sand.u32 @p2 $0x1C00, s17  }
0x10b: {  	s14 =	smov.u32 @p2 s14;
	s16 =	smov.u32 @p2 s16  }
0x10c: {  	s16 =	sor.u32 @p2 s14, s16;
	v10 =	vpsel p2, v10, v0  }
0x10d: {  	s14 =	simm.s32 $0x0;
	[tilespmem:s16+$0x3B00] =	vst @p2 v10  }
0x10e: {  	p3 =	por $0x1, $0x1;
	v9 =	vld.idx.msk [tilespmem:v9+s14+$0x0], $0xffff  }
.Ltmp25:
0x10f: {  	s16 =	sadd.s32 @p2 $0x80, s17;
	(pc) =	sbr.rel @!p3 .LBB2_43-.Ltmp25, $4  }
0x110: {  	s13 =	smov.u32 @p2 s16  }
0x111: {  	s31 =	sand.u32 $0x70, s15;
	s13 =	sand.u32 $0x1C00, s13  }
0x112: {  	s13 =	sor.u32 s31, s13  }
0x113: {  	p1 =	por $0x0, $0x0;
	v11 =	vmov s14;
	p2 =	por $0x0, $0x0;
	[tilespmem:s13+$0x3B00] =	vst v9;
	s13 =	simm.s32 $0x10  }
0x114: {  	p3 =	por $0x1, $0x1  }
.Ltmp26:
0x115: {  	v9 =	vor.u32 s14, v8;
	v10 =	vshrl.u32 v11, $0x5;
	(pc) =	sbr.rel @!p3 .LBB2_45-.Ltmp26, $4  }
0x116: {  	v9 =	vand.u32 $0x1F, v9;
	v10 =	vadd.s32 $0x38, v10  }
0x117: {  	v9 =	vpsel p0, v9, v10  }
0x118: {  	v9 =	vshll.u32 v9, $0x7  }
0x119: {  	v11 =	vmov s13;
	s15 =	simm.s32 $0x20;
	p1 =	por $0x1, $0x1;
	v9 =	vadd.s32 v7, v9  }
0x11a: {  	_ = 	snop  }
0x11b: {  	v10 =	vor.u32 s13, v8;
	v11 =	vshrl.u32 v11, $0x5  }
0x11c: {  	p3 =	por $0x1, $0x1;
	v10 =	vand.u32 $0x1F, v10;
	v11 =	vadd.s32 $0x38, v11  }
.Ltmp27:
0x11d: {  	v11 =	vpsel p0, v10, v11;
	(pc) =	sbr.rel @!p3 .LBB2_47-.Ltmp27, $4  }
0x11e: {  	v10 =	vld.idx.msk [tilespmem:v9+s3+$0x0], $0xffff;
	v9 =	vshll.u32 v11, $0x7  }
0x11f: {  	v9 =	vadd.s32 v7, v9  }
0x120: {  	s17 =	simm.s32 $0x30  }
0x121: {  	s18 =	sor.u32 s14, s14;
	p2 =	por $0x1, $0x1;
	s16 =	simm.s32 $0x0;
	v11 =	vmov s15  }
.LBB2_48:
0x122: {  	p3 =	sne.s32 s17, $0x3F0;
	v12 =	vor.u32 s15, v8;
	v11 =	vshrl.u32 v11, $0x5;
	s18 =	sor.u32 $0x380, s18;
	s19 =	smov.u32 s15  }
0x123: {  	s15 =	smov.u32 s17;
	v12 =	vand.u32 $0x1F, v12;
	v11 =	vadd.s32 $0x38, v11;
	[tilespmem:s18+$0x3800] =	vst v10  }
.Ltmp28:
0x124: {  	v11 =	vpsel p0, v12, v11;
	v10 =	vld.idx.msk [tilespmem:v9+s3+$0x0], $0xffff;
	(pc) =	sbr.rel @p3 .LBB2_48-.Ltmp28, $4  }
0x125: {  	v9 =	vshll.u32 v11, $0x7  }
0x126: {  	v9 =	vadd.s32 v7, v9  }
0x127: {  	s16 =	sadd.s32 $0x80, s16  }
0x128: {  	s17 =	sadd.s32 $0x10, s17;
	s18 =	sor.u32 s16, s13;
	s13 =	smov.u32 s19;
	v11 =	vmov s15  }
.LBB2_49:
0x129: {  	_ =	sdelay $0x1  }
0x12a: {  	v12 =	vor.u32 s15, v8;
	v11 =	vshrl.u32 v11, $0x5;
	s17 =	sor.u32 @p2 $0x380, s18  }
0x12b: {  	v12 =	vand.u32 $0x1F, v12;
	v11 =	vadd.s32 $0x38, v11;
	[tilespmem:s17+$0x3800] =	vst @p2 v10  }
0x12c: {  	v10 =	vpsel p0, v12, v11;
	v9 =	vld.idx.msk @p1 [tilespmem:v9+s3+$0x0], $0xffff  }
0x12d: {  	s16 =	sadd.s32 @p2 $0x80, s16;
	s17 =	simm.s32 $0x0;
	v10 =	vshll.u32 v10, $0x7  }
0x12e: {  	s17 =	smov.u32 @p2 s16;
	v10 =	vadd.s32 v7, v10  }
0x12f: {  	s13 =	sor.u32 @p1 s17, s13  }
0x130: {  	s13 =	smov.u32 @p1 s13  }
0x131: {  	s13 =	sor.u32 @p1 $0x380, s13;
	v9 =	vpsel p1, v9, v0  }
0x132: {  	[tilespmem:s13+$0x3800] =	vst @p1 v9  }
0x133: {  	v9 =	vld.idx.msk [tilespmem:v10+s3+$0x0], $0xffff  }
0x134: {  	s13 =	sadd.s32 @p1 $0x80, s17  }
0x135: {  	s14 =	smov.u32 @p1 s13  }
0x136: {  	s13 =	sor.u32 s14, s15  }
0x137: {  	s13 =	sor.u32 $0x380, s13  }
0x138: {  	[tilespmem:s13+$0x3800] =	vst v9  }
0x139: {  	[hbm4b:s5+s3] =	stream.linear.scatter [tilespmem:s10], [sflag:$0x2], $0x2000, $0x38;
	[tilespmem:$0x5800] =	vst v63  }
0x13a: {  	s12 =	sadd.s32 $0x1, s12  }
0x13b: {  	[hbm4b:s6+s3] =	stream.linear.scatter [tilespmem:s10], [sflag:$0x2], $0x2000, $0x38;
	[tilespmem:$0x5800] =	vst v63  }
0x13c: {  	p1 =	sne.s32 s12, s7;
	_ =	swait.ge [sflag:s11], $0x2000  }
.Ltmp29:
0x13d: {  	[sflag:s11] =	ssyncset.done $0x0;
	(pc) =	sbr.rel @p1 .LBB2_1-.Ltmp29, $4  }
.Ltmp30:
0x13e: {  	[sflag:s11] =	ssyncadd.s32 $0xFFFFE000;
	(pc) =	sbr.rel @!p1 .LBB2_50-.Ltmp30, $4  }
0x13f: {  	_ =	swait.ge [sflag:s11], $0x2000  }
0x140: {  	[sflag:s11] =	ssyncset.done $0x0  }
0x141: {  	[sflag:s11] =	ssyncadd.s32 $0xFFFFE000  }
0x142: {  	_ = 	snop  }
.LBB2_10:
.Ltmp31:
0x143: {  	(pc) =	sbr.rel .LBB2_16-.Ltmp31, $2  }
0x144: {  	_ =	sdelay $0x2  }
0x145: {  	s15 =	simm.s32 $0x0;
	s16 =	simm.s32 $0x0;
	p2 =	por $0x0, $0x0  }
.LBB2_23:
.Ltmp32:
0x146: {  	(pc) =	sbr.rel .LBB2_29-.Ltmp32, $2  }
0x147: {  	_ =	sdelay $0x2  }
0x148: {  	s15 =	simm.s32 $0x0;
	s16 =	simm.s32 $0x0;
	p2 =	por $0x0, $0x0  }
.LBB2_36:
.Ltmp33:
0x149: {  	(pc) =	sbr.rel .LBB2_42-.Ltmp33, $2  }
0x14a: {  	_ =	sdelay $0x2  }
0x14b: {  	s15 =	simm.s32 $0x0;
	s16 =	simm.s32 $0x0;
	p2 =	por $0x0, $0x0  }
.LBB2_43:
.Ltmp34:
0x14c: {  	(pc) =	sbr.rel .LBB2_49-.Ltmp34, $2  }
0x14d: {  	_ =	sdelay $0x2  }
0x14e: {  	s15 =	simm.s32 $0x0;
	s16 =	simm.s32 $0x0  }
.LBB2_5:
.Ltmp35:
0x14f: {  	(pc) =	sbr.rel .LBB2_9-.Ltmp35, $3  }
0x150: {  	_ =	sdelay $0x1  }
0x151: {  	s15 =	simm.s32 $0x10  }
0x152: {  	s16 =	simm.s32 $0x0;
	s17 =	simm.s32 $0x0;
	p4 =	por $0x0, $0x0  }
.LBB2_12:
.Ltmp36:
0x153: {  	(pc) =	sbr.rel .LBB2_16-.Ltmp36, $2  }
0x154: {  	_ =	sdelay $0x2  }
0x155: {  	s15 =	simm.s32 $0x10;
	s14 =	simm.s32 $0x0;
	s16 =	simm.s32 $0x0  }
.LBB2_18:
.Ltmp37:
0x156: {  	(pc) =	sbr.rel .LBB2_22-.Ltmp37, $3  }
0x157: {  	_ =	sdelay $0x1  }
0x158: {  	s15 =	simm.s32 $0x10  }
0x159: {  	s16 =	simm.s32 $0x0;
	s17 =	simm.s32 $0x0;
	p4 =	por $0x0, $0x0  }
.LBB2_25:
.Ltmp38:
0x15a: {  	(pc) =	sbr.rel .LBB2_29-.Ltmp38, $2  }
0x15b: {  	_ =	sdelay $0x2  }
0x15c: {  	s15 =	simm.s32 $0x10;
	s13 =	simm.s32 $0x0;
	s16 =	simm.s32 $0x0  }
.LBB2_31:
.Ltmp39:
0x15d: {  	(pc) =	sbr.rel .LBB2_35-.Ltmp39, $3  }
0x15e: {  	_ =	sdelay $0x1  }
0x15f: {  	s15 =	simm.s32 $0x10  }
0x160: {  	s16 =	simm.s32 $0x0;
	s17 =	simm.s32 $0x0;
	p4 =	por $0x0, $0x0  }
.LBB2_38:
.Ltmp40:
0x161: {  	(pc) =	sbr.rel .LBB2_42-.Ltmp40, $2  }
0x162: {  	_ =	sdelay $0x2  }
0x163: {  	s15 =	simm.s32 $0x10;
	s14 =	simm.s32 $0x0;
	s16 =	simm.s32 $0x0  }
.LBB2_45:
.Ltmp41:
0x164: {  	(pc) =	sbr.rel .LBB2_49-.Ltmp41, $2  }
0x165: {  	_ =	sdelay $0x2  }
0x166: {  	s15 =	simm.s32 $0x10;
	s16 =	simm.s32 $0x0;
	s13 =	simm.s32 $0x0  }
.LBB2_7:
.Ltmp42:
0x167: {  	(pc) =	sbr.rel .LBB2_9-.Ltmp42, $2  }
0x168: {  	_ =	sdelay $0x2  }
0x169: {  	s16 =	simm.s32 $0x10;
	s17 =	simm.s32 $0x0  }
.LBB2_14:
.Ltmp43:
0x16a: {  	(pc) =	sbr.rel .LBB2_16-.Ltmp43, $2  }
0x16b: {  	_ =	sdelay $0x2  }
0x16c: {  	s16 =	simm.s32 $0x0  }
.LBB2_20:
.Ltmp44:
0x16d: {  	(pc) =	sbr.rel .LBB2_22-.Ltmp44, $2  }
0x16e: {  	_ =	sdelay $0x2  }
0x16f: {  	s16 =	simm.s32 $0x10;
	s17 =	simm.s32 $0x0  }
.LBB2_27:
.Ltmp45:
0x170: {  	(pc) =	sbr.rel .LBB2_29-.Ltmp45, $2  }
0x171: {  	_ =	sdelay $0x2  }
0x172: {  	s16 =	simm.s32 $0x0  }
.LBB2_33:
.Ltmp46:
0x173: {  	(pc) =	sbr.rel .LBB2_35-.Ltmp46, $2  }
0x174: {  	_ =	sdelay $0x2  }
0x175: {  	s16 =	simm.s32 $0x10;
	s17 =	simm.s32 $0x0  }
.LBB2_40:
.Ltmp47:
0x176: {  	(pc) =	sbr.rel .LBB2_42-.Ltmp47, $2  }
0x177: {  	_ =	sdelay $0x2  }
0x178: {  	s16 =	simm.s32 $0x0  }
.LBB2_47:
.Ltmp48:
0x179: {  	(pc) =	sbr.rel .LBB2_49-.Ltmp48, $2  }
0x17a: {  	_ =	sdelay $0x2  }
0x17b: {  	s16 =	simm.s32 $0x0  }
.LBB2_50:
0x17c: {  	_ =	sfence.sel $0x180000  }
0x17d: {  	[bflag:$0x0] =	sbarrier.arrive $0xFFFF  }
0x17e: {  	p0 =	sne.s32 s4, $0x0;
	_ =	strace $0x90000047  }
0x17f: {  	s0 =	sadd.s32 @!p0 $0x100000, s0;
	[bflag:$0x2] =	sbarrier.arrive $0xFFFF  }
0x180: {  	[sflag:s0] =	ssyncadd.tile.s32 @!p0 $0x1;
	_ =	shalt  }
.Lfunc_end2:
_tile_overlayer_lowered:
.L_overlay_start_2:
0x181: {  	(tag) =	ssettag $0x2  }
0x182: {  	s0 =	rddreg [dreg:$0x0];
	s2 =	stileid.u32  }
0x183: {  	s1 =	rddreg [dreg:$0x1];
	p0 =	sne.s32 s2, $0x0  }
0x184: {  	s3 =	rddreg [dreg:$0x2];
	[bflag:$0x3] =	sbarrier.arrive $0xFFFF;
	s2 =	simm.s32 @!p0 $0x1C03  }
0x185: {  	[timem:s3], [sflag:s2] =	dma.local @!p0 [hbm:s0], s1  }
0x186: {  	s0 =	simm.s32 @!p0 $0x3  }
0x187: {  	_ =	swait.ge @!p0 [sflag:s0], s1  }
0x188: {  	s1 =	ssub.s32 @!p0 $0x0, s1;
	[sflag:s0] =	ssyncset.done @!p0 $0x0  }
0x189: {  	[sflag:s0] =	ssyncadd.s32 @!p0 s1  }
0x18a: {  	[bflag:$0x3] =	sbarrier.arrive $0xFFFF  }
0x18b: {  	_ =	shalt  }

</sc_bundles>
